<compile_context>
chip_gen: v7x
topology: tpu7x:2x2x1
jax: 0.10.2.dev20260603
libtpu: 0.0.44.dev20260713+nightly
codegen_flags: <defaults>
</compile_context>

<pallas_src>
import jax
import jax.numpy as jnp
from jax.experimental import pallas as pl


_K = 2048
_NH = 4
_E2 = 1 << 18


def _dense_kernel(nbr_f_ref, ts_ref, valid_ref, tgt_ref,
                  wf_ref, bf_ref, w1_ref, b1_ref, wt2_ref, bt2_ref,
                  wq_ref, bq_ref, wk_ref, bk_ref, wv_ref, bv_ref,
                  wo_ref, bo_ref, wp_ref, bp_ref,
                  out_ref):
    K = nbr_f_ref.shape[1]
    H = wf_ref.shape[1]
    dh = H // _NH

    nbr_f = nbr_f_ref[...].reshape(K, nbr_f_ref.shape[2])
    ts = ts_ref[...].reshape(K, 1)
    valid = valid_ref[...].reshape(K, 1)

    bf = bf_ref[...]
    t_nbr = jnp.dot(nbr_f, wf_ref[...],
                    preferred_element_type=jnp.float32) + bf
    r = jnp.maximum(ts * w1_ref[...] + b1_ref[...], 0.0)
    kv = t_nbr + jnp.dot(r, wt2_ref[...],
                         preferred_element_type=jnp.float32) + bt2_ref[...]

    tgt_tr = jnp.dot(tgt_ref[...].reshape(1, nbr_f_ref.shape[2]), wf_ref[...],
                     preferred_element_type=jnp.float32) + bf
    q = jnp.dot(tgt_tr, wq_ref[...],
                preferred_element_type=jnp.float32) + bq_ref[...]
    kmat = jnp.dot(kv, wk_ref[...],
                   preferred_element_type=jnp.float32) + bk_ref[...]
    vmat = jnp.dot(kv, wv_ref[...],
                   preferred_element_type=jnp.float32) + bv_ref[...]

    prod = kmat * q
    scale = 1.0 / (float(dh) ** 0.5)
    logit_parts = [
        jnp.sum(prod[:, h * dh:(h + 1) * dh], axis=1, keepdims=True) * scale
        for h in range(_NH)
    ]
    logits = jnp.concatenate(logit_parts, axis=1)
    logits = logits + (valid - 1.0) * 1e9

    mx = jnp.max(logits, axis=0, keepdims=True)
    ex = jnp.exp(logits - mx)
    sm = jnp.sum(ex, axis=0, keepdims=True)
    attn = ex / sm

    ctx_parts = [
        jnp.sum(attn[:, h:h + 1] * vmat[:, h * dh:(h + 1) * dh],
                axis=0, keepdims=True)
        for h in range(_NH)
    ]
    ctx = jnp.concatenate(ctx_parts, axis=1)
    attended = jnp.dot(ctx, wo_ref[...],
                       preferred_element_type=jnp.float32) + bo_ref[...]
    has_nbr = jnp.max(valid) > 0.0
    agg = jnp.where(has_nbr, attended, tgt_tr)
    res = jnp.dot(agg, wp_ref[...],
                  preferred_element_type=jnp.float32) + bp_ref[...]
    out_ref[...] = res.reshape(1, 1, H)


def kernel(node_features, edge_index, edge_timestamps, target_nodes,
           W_t1, b_t1, W_t2, b_t2, W_f, b_f, W_in, b_in,
           W_out, b_out, W_proj, b_proj):
    N, F = node_features.shape
    E = edge_index.shape[1]
    B = target_nodes.shape[0]
    H = W_f.shape[0]
    K = _K

    src = edge_index[0]
    dst = edge_index[1]
    bidx = jnp.arange(B, dtype=jnp.int32)

    slot_of = jnp.full((N,), B, jnp.int32).at[target_nodes].min(bidx)
    ss = slot_of[src]
    sd = slot_of[dst]
    e = jnp.arange(E, dtype=jnp.int32)
    big = jnp.int32(B * _E2)
    ks = jnp.where(ss < B, ss * _E2 + e, big)
    kd = jnp.where((sd < B) & (src != dst), sd * _E2 + e, big)
    srt = jnp.sort(jnp.concatenate([ks, kd]))

    starts = jnp.searchsorted(srt, bidx * _E2).astype(jnp.int32)
    ends = jnp.searchsorted(srt, (bidx + 1) * _E2).astype(jnp.int32)
    cnt = jnp.minimum(ends - starts, K)

    j = jnp.arange(K, dtype=jnp.int32)
    pos = jnp.minimum(starts[:, None] + j[None, :], 2 * E - 1)
    key = srt[pos]
    validu = j[None, :] < cnt[:, None]
    eid_u = jnp.where(validu, key - bidx[:, None] * _E2, 0)

    s_b = slot_of[target_nodes]
    eid = eid_u[s_b]
    valid = validu[s_b].astype(jnp.float32)
    t_b = target_nodes

    src_e = src[eid]
    dst_e = dst[eid]
    nbr = jnp.where(src_e == t_b[:, None], dst_e, src_e)
    nbr = jnp.where(valid > 0, nbr, 0)

    ts_g = edge_timestamps[eid][:, :, None]
    nbr_feat = node_features[nbr]
    tgt_feat = node_features[t_b][:, None, :]
    valid3 = valid[:, :, None]

    Wq, Wk, Wv = jnp.split(W_in, 3, axis=0)
    bq, bk, bv = jnp.split(b_in, 3)
    wf = W_f.T
    w1 = W_t1.T
    args = (
        nbr_feat, ts_g, valid3, tgt_feat,
        wf, b_f[None, :], w1, b_t1[None, :], W_t2.T, b_t2[None, :],
        Wq.T, bq[None, :], Wk.T, bk[None, :], Wv.T, bv[None, :],
        W_out.T, b_out[None, :], W_proj.T, b_proj[None, :],
    )

    def w_spec(shape):
        nd = len(shape)
        return pl.BlockSpec(shape, lambda b, _n=nd: (0,) * _n)

    in_specs = [
        pl.BlockSpec((1, K, F), lambda b: (b, 0, 0)),
        pl.BlockSpec((1, K, 1), lambda b: (b, 0, 0)),
        pl.BlockSpec((1, K, 1), lambda b: (b, 0, 0)),
        pl.BlockSpec((1, 1, F), lambda b: (b, 0, 0)),
        w_spec((F, H)), w_spec((1, H)),
        w_spec((1, H)), w_spec((1, H)),
        w_spec((H, H)), w_spec((1, H)),
        w_spec((H, H)), w_spec((1, H)),
        w_spec((H, H)), w_spec((1, H)),
        w_spec((H, H)), w_spec((1, H)),
        w_spec((H, H)), w_spec((1, H)),
        w_spec((H, H)), w_spec((1, H)),
    ]

    out = pl.pallas_call(
        _dense_kernel,
        grid=(B,),
        in_specs=in_specs,
        out_specs=pl.BlockSpec((1, 1, H), lambda b: (b, 0, 0)),
        out_shape=jax.ShapeDtypeStruct((B, 1, H), jnp.float32),
    )(*args)
    return out.reshape(B, H)

# --- scband reference (transcript-rebuilt; emitter-appended) ---
"""Pipeline reference for scband-temporal-aggregator-32547262169236 (READ-ONLY COPY).

The authoritative reference and input builder live on the scoring server;
editing this copy changes nothing except your own understanding.
"""

import jax, jax.numpy as jnp
import numpy as np

INPUT_DIM = 128
HIDDEN_DIM = 256
NUM_HEADS = 4
N_NODES = 10000
N_EDGES = 160000
BATCH = 128


def setup_inputs(seed: int = 0) -> dict:
    key = jax.random.key(seed)
    ks = jax.random.split(key, 12)
    s = 0.05
    H = HIDDEN_DIM
    node_features = jax.random.normal(ks[0], (N_NODES, INPUT_DIM), dtype=jnp.float32)
    edge_index = jax.random.randint(ks[1], (2, N_EDGES), 0, N_NODES)
    edge_timestamps = jax.random.uniform(ks[2], (N_EDGES,), dtype=jnp.float32)
    target_nodes = jax.random.randint(ks[3], (BATCH,), 0, N_NODES)
    W_t1 = jax.random.normal(ks[4], (H, 1), dtype=jnp.float32) * s
    b_t1 = jnp.zeros((H,), dtype=jnp.float32)
    W_t2 = jax.random.normal(ks[5], (H, H), dtype=jnp.float32) * s
    b_t2 = jnp.zeros((H,), dtype=jnp.float32)
    W_f = jax.random.normal(ks[6], (H, INPUT_DIM), dtype=jnp.float32) * s
    b_f = jnp.zeros((H,), dtype=jnp.float32)
    W_in = jax.random.normal(ks[7], (3 * H, H), dtype=jnp.float32) * s
    b_in = jnp.zeros((3 * H,), dtype=jnp.float32)
    W_out = jax.random.normal(ks[8], (H, H), dtype=jnp.float32) * s
    b_out = jnp.zeros((H,), dtype=jnp.float32)
    W_proj = jax.random.normal(ks[9], (H, H), dtype=jnp.float32) * s
    b_proj = jnp.zeros((H,), dtype=jnp.float32)
    return {
        'node_features': node_features, 'edge_index': edge_index,
        'edge_timestamps': edge_timestamps, 'target_nodes': target_nodes,
        'W_t1': W_t1, 'b_t1': b_t1, 'W_t2': W_t2, 'b_t2': b_t2,
        'W_f': W_f, 'b_f': b_f, 'W_in': W_in, 'b_in': b_in,
        'W_out': W_out, 'b_out': b_out, 'W_proj': W_proj, 'b_proj': b_proj,
    }


def _build_neighbors(edge_index, target_nodes):
    # Integer/structural precompute: padded incident-edge lists per target node.
    src = edge_index[0]
    dst = edge_index[1]
    E = src.shape[0]
    K = 2048
    m = (src[None, :] == target_nodes[:, None]) | (dst[None, :] == target_nodes[:, None])
    idx = jnp.where(m, jnp.arange(E, dtype=jnp.int32)[None, :], E)
    eid = jnp.sort(idx, axis=1)[:, :K]
    valid = eid < E
    eid = jnp.where(valid, eid, 0).astype(jnp.int32)
    src_e = jnp.take(src, eid, axis=0)
    dst_e = jnp.take(dst, eid, axis=0)
    nbr = jnp.where(src_e == target_nodes[:, None], dst_e, src_e).astype(jnp.int32)
    nbr = jnp.where(valid, nbr, 0)
    return eid, nbr, valid


def reference(node_features, edge_index, edge_timestamps, target_nodes,
              W_t1, b_t1, W_t2, b_t2, W_f, b_f, W_in, b_in,
              W_out, b_out, W_proj, b_proj):
    eid, nbr, valid = _build_neighbors(edge_index, target_nodes)
    tg = target_nodes
    H = HIDDEN_DIM
    nh = NUM_HEADS
    dh = H // nh
    # feature_transform
    transformed = node_features @ W_f.T + b_f                      # [N, H]
    # time_encoder
    tfe = jax.nn.relu(edge_timestamps[:, None] @ W_t1.T + b_t1)
    time_feats = tfe @ W_t2.T + b_t2                               # [E, H]
    tgt = jnp.take(transformed, tg, axis=0)                        # [B, H]
    kv = jnp.take(transformed, nbr, axis=0) + jnp.take(time_feats, eid, axis=0)  # [B, K, H]
    # MultiheadAttention (eval mode, batch_first), single query per target
    Wq, Wk, Wv = jnp.split(W_in, 3, axis=0)
    bq, bk, bv = jnp.split(b_in, 3)
    q = (tgt @ Wq.T + bq).reshape(-1, nh, dh)                      # [B, nh, dh]
    k = (kv @ Wk.T + bk).reshape(kv.shape[0], kv.shape[1], nh, dh)
    v = (kv @ Wv.T + bv).reshape(kv.shape[0], kv.shape[1], nh, dh)
    logits = jnp.einsum('bhd,bkhd->bhk', q, k) / (float(dh) ** 0.5)
    logits = jnp.where(valid[:, None, :], logits, -1e9)
    attn = jax.nn.softmax(logits, axis=-1)
    ctx = jnp.einsum('bhk,bkhd->bhd', attn, v).reshape(-1, H)
    attended = ctx @ W_out.T + b_out
    has_nbr = valid.any(axis=1)
    agg = jnp.where(has_nbr[:, None], attended, tgt)
    return agg @ W_proj.T + b_proj


if False:  # reference __main__ guard neutralized (emitter)
    out = reference(**setup_inputs())
    print(out.shape)

if __name__ == "__main__":
    import jax
    _d = setup_inputs()
    print(jax.jit(kernel)(*tuple(_d.values())))

</pallas_src>

<mosaic_0001>
module attributes {stable_mosaic.version = 14 : i64} {
  func.func @_dense_kernel(%arg0: i32, %arg1: memref<1x2048x128xf32, #tpu.memory_space<vmem>>, %arg2: memref<1x2048x1xf32, #tpu.memory_space<vmem>>, %arg3: memref<1x2048x1xf32, #tpu.memory_space<vmem>>, %arg4: memref<1x1x128xf32, #tpu.memory_space<vmem>>, %arg5: memref<128x256xf32, #tpu.memory_space<vmem>>, %arg6: memref<1x256xf32, #tpu.memory_space<vmem>>, %arg7: memref<1x256xf32, #tpu.memory_space<vmem>>, %arg8: memref<1x256xf32, #tpu.memory_space<vmem>>, %arg9: memref<256x256xf32, #tpu.memory_space<vmem>>, %arg10: memref<1x256xf32, #tpu.memory_space<vmem>>, %arg11: memref<256x256xf32, #tpu.memory_space<vmem>>, %arg12: memref<1x256xf32, #tpu.memory_space<vmem>>, %arg13: memref<256x256xf32, #tpu.memory_space<vmem>>, %arg14: memref<1x256xf32, #tpu.memory_space<vmem>>, %arg15: memref<256x256xf32, #tpu.memory_space<vmem>>, %arg16: memref<1x256xf32, #tpu.memory_space<vmem>>, %arg17: memref<256x256xf32, #tpu.memory_space<vmem>>, %arg18: memref<1x256xf32, #tpu.memory_space<vmem>>, %arg19: memref<256x256xf32, #tpu.memory_space<vmem>>, %arg20: memref<1x256xf32, #tpu.memory_space<vmem>>, %arg21: memref<1x1x256xf32, #tpu.memory_space<vmem>>) attributes {dimension_semantics = [#tpu.dimension_semantics<arbitrary>], iteration_bounds = array<i64: 128>, scalar_prefetch = 0 : i64, scratch_operands = 0 : i64, tpu.core_type = #tpu.core_type<tc>, window_params = [{transform_indices = @transform_0, window_bounds = array<i64: 1, 2048, 128>}, {transform_indices = @transform_1, window_bounds = array<i64: 1, 2048, 1>}, {transform_indices = @transform_2, window_bounds = array<i64: 1, 2048, 1>}, {transform_indices = @transform_3, window_bounds = array<i64: 1, 1, 128>}, {pipeline_mode = #tpu.pipeline_mode<synchronous>, transform_indices = @transform_4, window_bounds = array<i64: 128, 256>}, {pipeline_mode = #tpu.pipeline_mode<synchronous>, transform_indices = @transform_5, window_bounds = array<i64: 1, 256>}, {pipeline_mode = #tpu.pipeline_mode<synchronous>, transform_indices = @transform_6, window_bounds = array<i64: 1, 256>}, {pipeline_mode = #tpu.pipeline_mode<synchronous>, transform_indices = @transform_7, window_bounds = array<i64: 1, 256>}, {pipeline_mode = #tpu.pipeline_mode<synchronous>, transform_indices = @transform_8, window_bounds = array<i64: 256, 256>}, {pipeline_mode = #tpu.pipeline_mode<synchronous>, transform_indices = @transform_9, window_bounds = array<i64: 1, 256>}, {pipeline_mode = #tpu.pipeline_mode<synchronous>, transform_indices = @transform_10, window_bounds = array<i64: 256, 256>}, {pipeline_mode = #tpu.pipeline_mode<synchronous>, transform_indices = @transform_11, window_bounds = array<i64: 1, 256>}, {pipeline_mode = #tpu.pipeline_mode<synchronous>, transform_indices = @transform_12, window_bounds = array<i64: 256, 256>}, {pipeline_mode = #tpu.pipeline_mode<synchronous>, transform_indices = @transform_13, window_bounds = array<i64: 1, 256>}, {pipeline_mode = #tpu.pipeline_mode<synchronous>, transform_indices = @transform_14, window_bounds = array<i64: 256, 256>}, {pipeline_mode = #tpu.pipeline_mode<synchronous>, transform_indices = @transform_15, window_bounds = array<i64: 1, 256>}, {pipeline_mode = #tpu.pipeline_mode<synchronous>, transform_indices = @transform_16, window_bounds = array<i64: 256, 256>}, {pipeline_mode = #tpu.pipeline_mode<synchronous>, transform_indices = @transform_17, window_bounds = array<i64: 1, 256>}, {pipeline_mode = #tpu.pipeline_mode<synchronous>, transform_indices = @transform_18, window_bounds = array<i64: 256, 256>}, {pipeline_mode = #tpu.pipeline_mode<synchronous>, transform_indices = @transform_19, window_bounds = array<i64: 1, 256>}, {transform_indices = @transform_20, window_bounds = array<i64: 1, 1, 256>}]} {
    %get3A = arith.constant 0 : index
    %get3A_0 = arith.constant 0 : index
    %get3A_1 = arith.constant 0 : index
    %get3A_2 = vector.load %arg1[%get3A, %get3A_0, %get3A_1] : memref<1x2048x128xf32, #tpu.memory_space<vmem>>, vector<1x2048x128xf32>
    %reshape3A = vector.shape_cast %get3A_2 : vector<1x2048x128xf32> to vector<2048x128xf32>
    %get3A_3 = arith.constant 0 : index
    %get3A_4 = arith.constant 0 : index
    %get3A_5 = arith.constant 0 : index
    %get3A_6 = vector.load %arg2[%get3A_3, %get3A_4, %get3A_5] : memref<1x2048x1xf32, #tpu.memory_space<vmem>>, vector<1x2048x1xf32>
    %reshape3A_7 = vector.shape_cast %get3A_6 : vector<1x2048x1xf32> to vector<2048x1xf32>
    %get3A_8 = arith.constant 0 : index
    %get3A_9 = arith.constant 0 : index
    %get3A_10 = arith.constant 0 : index
    %get3A_11 = vector.load %arg3[%get3A_8, %get3A_9, %get3A_10] : memref<1x2048x1xf32, #tpu.memory_space<vmem>>, vector<1x2048x1xf32>
    %reshape3A_12 = vector.shape_cast %get3A_11 : vector<1x2048x1xf32> to vector<2048x1xf32>
    %get3A_13 = arith.constant 0 : index
    %get3A_14 = arith.constant 0 : index
    %get3A_15 = vector.load %arg6[%get3A_13, %get3A_14] : memref<1x256xf32, #tpu.memory_space<vmem>>, vector<1x256xf32>
    %get3A_16 = arith.constant 0 : index
    %get3A_17 = arith.constant 0 : index
    %get3A_18 = vector.load %arg5[%get3A_16, %get3A_17] : memref<128x256xf32, #tpu.memory_space<vmem>>, vector<128x256xf32>
    %dot_general3A = arith.constant dense<0.000000e+00> : vector<2048x256xf32>
    %dot_general3A_19 = tpu.matmul %reshape3A, %get3A_18, %dot_general3A {dimension_numbers = #tpu.dot_dimension_numbers<[1], [0], [0], [1], [0, 0, 1, 1], [], []>, transpose_lhs_hint = false} : vector<2048x128xf32>, vector<128x256xf32>, vector<2048x256xf32> -> vector<2048x256xf32>
    %add3A = vector.broadcast %get3A_15 : vector<1x256xf32> to vector<2048x256xf32>
    %add3A_20 = arith.addf %dot_general3A_19, %add3A : vector<2048x256xf32>
    %get3A_21 = arith.constant 0 : index
    %get3A_22 = arith.constant 0 : index
    %get3A_23 = vector.load %arg7[%get3A_21, %get3A_22] : memref<1x256xf32, #tpu.memory_space<vmem>>, vector<1x256xf32>
    %mul3A = vector.broadcast %reshape3A_7 : vector<2048x1xf32> to vector<2048x256xf32>
    %mul3A_24 = vector.broadcast %get3A_23 : vector<1x256xf32> to vector<2048x256xf32>
    %mul3A_25 = arith.mulf %mul3A, %mul3A_24 : vector<2048x256xf32>
    %get3A_26 = arith.constant 0 : index
    %get3A_27 = arith.constant 0 : index
    %get3A_28 = vector.load %arg8[%get3A_26, %get3A_27] : memref<1x256xf32, #tpu.memory_space<vmem>>, vector<1x256xf32>
    %add3A_29 = vector.broadcast %get3A_28 : vector<1x256xf32> to vector<2048x256xf32>
    %add3A_30 = arith.addf %mul3A_25, %add3A_29 : vector<2048x256xf32>
    %max3A = arith.constant 0.000000e+00 : f32
    %max3A_31 = vector.broadcast %max3A : f32 to vector<2048x256xf32>
    %max3A_32 = arith.maximumf %add3A_30, %max3A_31 : vector<2048x256xf32>
    %get3A_33 = arith.constant 0 : index
    %get3A_34 = arith.constant 0 : index
    %get3A_35 = vector.load %arg9[%get3A_33, %get3A_34] : memref<256x256xf32, #tpu.memory_space<vmem>>, vector<256x256xf32>
    %dot_general3A_36 = arith.constant dense<0.000000e+00> : vector<2048x256xf32>
    %dot_general3A_37 = tpu.matmul %max3A_32, %get3A_35, %dot_general3A_36 {dimension_numbers = #tpu.dot_dimension_numbers<[1], [0], [0], [1], [0, 0, 1, 1], [], []>, transpose_lhs_hint = false} : vector<2048x256xf32>, vector<256x256xf32>, vector<2048x256xf32> -> vector<2048x256xf32>
    %add3A_38 = arith.addf %add3A_20, %dot_general3A_37 : vector<2048x256xf32>
    %get3A_39 = arith.constant 0 : index
    %get3A_40 = arith.constant 0 : index
    %get3A_41 = vector.load %arg10[%get3A_39, %get3A_40] : memref<1x256xf32, #tpu.memory_space<vmem>>, vector<1x256xf32>
    %add3A_42 = vector.broadcast %get3A_41 : vector<1x256xf32> to vector<2048x256xf32>
    %add3A_43 = arith.addf %add3A_38, %add3A_42 : vector<2048x256xf32>
    %get3A_44 = arith.constant 0 : index
    %get3A_45 = arith.constant 0 : index
    %get3A_46 = arith.constant 0 : index
    %get3A_47 = vector.load %arg4[%get3A_44, %get3A_45, %get3A_46] : memref<1x1x128xf32, #tpu.memory_space<vmem>>, vector<1x1x128xf32>
    %reshape3A_48 = vector.shape_cast %get3A_47 : vector<1x1x128xf32> to vector<1x128xf32>
    %get3A_49 = arith.constant 0 : index
    %get3A_50 = arith.constant 0 : index
    %get3A_51 = vector.load %arg5[%get3A_49, %get3A_50] : memref<128x256xf32, #tpu.memory_space<vmem>>, vector<128x256xf32>
    %dot_general3A_52 = arith.constant dense<0.000000e+00> : vector<1x256xf32>
    %dot_general3A_53 = tpu.matmul %reshape3A_48, %get3A_51, %dot_general3A_52 {dimension_numbers = #tpu.dot_dimension_numbers<[1], [0], [0], [1], [0, 0, 1, 1], [], []>, transpose_lhs_hint = false} : vector<1x128xf32>, vector<128x256xf32>, vector<1x256xf32> -> vector<1x256xf32>
    %add3A_54 = arith.addf %dot_general3A_53, %get3A_15 : vector<1x256xf32>
    %get3A_55 = arith.constant 0 : index
    %get3A_56 = arith.constant 0 : index
    %get3A_57 = vector.load %arg11[%get3A_55, %get3A_56] : memref<256x256xf32, #tpu.memory_space<vmem>>, vector<256x256xf32>
    %dot_general3A_58 = arith.constant dense<0.000000e+00> : vector<1x256xf32>
    %dot_general3A_59 = tpu.matmul %add3A_54, %get3A_57, %dot_general3A_58 {dimension_numbers = #tpu.dot_dimension_numbers<[1], [0], [0], [1], [0, 0, 1, 1], [], []>, transpose_lhs_hint = false} : vector<1x256xf32>, vector<256x256xf32>, vector<1x256xf32> -> vector<1x256xf32>
    %get3A_60 = arith.constant 0 : index
    %get3A_61 = arith.constant 0 : index
    %get3A_62 = vector.load %arg12[%get3A_60, %get3A_61] : memref<1x256xf32, #tpu.memory_space<vmem>>, vector<1x256xf32>
    %add3A_63 = arith.addf %dot_general3A_59, %get3A_62 : vector<1x256xf32>
    %get3A_64 = arith.constant 0 : index
    %get3A_65 = arith.constant 0 : index
    %get3A_66 = vector.load %arg13[%get3A_64, %get3A_65] : memref<256x256xf32, #tpu.memory_space<vmem>>, vector<256x256xf32>
    %dot_general3A_67 = arith.constant dense<0.000000e+00> : vector<2048x256xf32>
    %dot_general3A_68 = tpu.matmul %add3A_43, %get3A_66, %dot_general3A_67 {dimension_numbers = #tpu.dot_dimension_numbers<[1], [0], [0], [1], [0, 0, 1, 1], [], []>, transpose_lhs_hint = false} : vector<2048x256xf32>, vector<256x256xf32>, vector<2048x256xf32> -> vector<2048x256xf32>
    %get3A_69 = arith.constant 0 : index
    %get3A_70 = arith.constant 0 : index
    %get3A_71 = vector.load %arg14[%get3A_69, %get3A_70] : memref<1x256xf32, #tpu.memory_space<vmem>>, vector<1x256xf32>
    %add3A_72 = vector.broadcast %get3A_71 : vector<1x256xf32> to vector<2048x256xf32>
    %add3A_73 = arith.addf %dot_general3A_68, %add3A_72 : vector<2048x256xf32>
    %get3A_74 = arith.constant 0 : index
    %get3A_75 = arith.constant 0 : index
    %get3A_76 = vector.load %arg15[%get3A_74, %get3A_75] : memref<256x256xf32, #tpu.memory_space<vmem>>, vector<256x256xf32>
    %dot_general3A_77 = arith.constant dense<0.000000e+00> : vector<2048x256xf32>
    %dot_general3A_78 = tpu.matmul %add3A_43, %get3A_76, %dot_general3A_77 {dimension_numbers = #tpu.dot_dimension_numbers<[1], [0], [0], [1], [0, 0, 1, 1], [], []>, transpose_lhs_hint = false} : vector<2048x256xf32>, vector<256x256xf32>, vector<2048x256xf32> -> vector<2048x256xf32>
    %get3A_79 = arith.constant 0 : index
    %get3A_80 = arith.constant 0 : index
    %get3A_81 = vector.load %arg16[%get3A_79, %get3A_80] : memref<1x256xf32, #tpu.memory_space<vmem>>, vector<1x256xf32>
    %add3A_82 = vector.broadcast %get3A_81 : vector<1x256xf32> to vector<2048x256xf32>
    %add3A_83 = arith.addf %dot_general3A_78, %add3A_82 : vector<2048x256xf32>
    %mul3A_84 = vector.broadcast %add3A_63 : vector<1x256xf32> to vector<2048x256xf32>
    %mul3A_85 = arith.mulf %add3A_73, %mul3A_84 : vector<2048x256xf32>
    %slice3A = vector.extract_strided_slice %mul3A_85 {offsets = [0, 0], sizes = [2048, 64], strides = [1, 1]} : vector<2048x256xf32> to vector<2048x64xf32>
    %reduce_sum3A = arith.constant dense<0.000000e+00> : vector<2048xf32>
    %reduce_sum3A_86 = vector.multi_reduction <add>, %slice3A, %reduce_sum3A [1] : vector<2048x64xf32> to vector<2048xf32>
    %broadcast_in_dim3A = vector.shape_cast %reduce_sum3A_86 : vector<2048xf32> to vector<2048x1xf32>
    %mul3A_87 = arith.constant 1.250000e-01 : f32
    %mul3A_88 = vector.broadcast %mul3A_87 : f32 to vector<2048x1xf32>
    %mul3A_89 = arith.mulf %broadcast_in_dim3A, %mul3A_88 : vector<2048x1xf32>
    %slice3A_90 = vector.extract_strided_slice %mul3A_85 {offsets = [0, 64], sizes = [2048, 64], strides = [1, 1]} : vector<2048x256xf32> to vector<2048x64xf32>
    %reduce_sum3A_91 = arith.constant dense<0.000000e+00> : vector<2048xf32>
    %reduce_sum3A_92 = vector.multi_reduction <add>, %slice3A_90, %reduce_sum3A_91 [1] : vector<2048x64xf32> to vector<2048xf32>
    %broadcast_in_dim3A_93 = vector.shape_cast %reduce_sum3A_92 : vector<2048xf32> to vector<2048x1xf32>
    %mul3A_94 = arith.constant 1.250000e-01 : f32
    %mul3A_95 = vector.broadcast %mul3A_94 : f32 to vector<2048x1xf32>
    %mul3A_96 = arith.mulf %broadcast_in_dim3A_93, %mul3A_95 : vector<2048x1xf32>
    %slice3A_97 = vector.extract_strided_slice %mul3A_85 {offsets = [0, 128], sizes = [2048, 64], strides = [1, 1]} : vector<2048x256xf32> to vector<2048x64xf32>
    %reduce_sum3A_98 = arith.constant dense<0.000000e+00> : vector<2048xf32>
    %reduce_sum3A_99 = vector.multi_reduction <add>, %slice3A_97, %reduce_sum3A_98 [1] : vector<2048x64xf32> to vector<2048xf32>
    %broadcast_in_dim3A_100 = vector.shape_cast %reduce_sum3A_99 : vector<2048xf32> to vector<2048x1xf32>
    %mul3A_101 = arith.constant 1.250000e-01 : f32
    %mul3A_102 = vector.broadcast %mul3A_101 : f32 to vector<2048x1xf32>
    %mul3A_103 = arith.mulf %broadcast_in_dim3A_100, %mul3A_102 : vector<2048x1xf32>
    %slice3A_104 = vector.extract_strided_slice %mul3A_85 {offsets = [0, 192], sizes = [2048, 64], strides = [1, 1]} : vector<2048x256xf32> to vector<2048x64xf32>
    %reduce_sum3A_105 = arith.constant dense<0.000000e+00> : vector<2048xf32>
    %reduce_sum3A_106 = vector.multi_reduction <add>, %slice3A_104, %reduce_sum3A_105 [1] : vector<2048x64xf32> to vector<2048xf32>
    %broadcast_in_dim3A_107 = vector.shape_cast %reduce_sum3A_106 : vector<2048xf32> to vector<2048x1xf32>
    %mul3A_108 = arith.constant 1.250000e-01 : f32
    %mul3A_109 = vector.broadcast %mul3A_108 : f32 to vector<2048x1xf32>
    %mul3A_110 = arith.mulf %broadcast_in_dim3A_107, %mul3A_109 : vector<2048x1xf32>
    %concatenate3A = tpu.concatenate %mul3A_89, %mul3A_96, %mul3A_103, %mul3A_110 in 1 : vector<2048x1xf32>, vector<2048x1xf32>, vector<2048x1xf32>, vector<2048x1xf32> -> vector<2048x4xf32>
    %sub3A = arith.constant 1.000000e+00 : f32
    %sub3A_111 = vector.broadcast %sub3A : f32 to vector<2048x1xf32>
    %sub3A_112 = arith.subf %reshape3A_12, %sub3A_111 : vector<2048x1xf32>
    %mul3A_113 = arith.constant 1.000000e+09 : f32
    %mul3A_114 = vector.broadcast %mul3A_113 : f32 to vector<2048x1xf32>
    %mul3A_115 = arith.mulf %sub3A_112, %mul3A_114 : vector<2048x1xf32>
    %add3A_116 = vector.broadcast %mul3A_115 : vector<2048x1xf32> to vector<2048x4xf32>
    %add3A_117 = arith.addf %concatenate3A, %add3A_116 : vector<2048x4xf32>
    %reduce_max3A = arith.constant dense<0xFF800000> : vector<4xf32>
    %reduce_max3A_118 = vector.multi_reduction <maximumf>, %add3A_117, %reduce_max3A [0] : vector<2048x4xf32> to vector<4xf32>
    %broadcast_in_dim3A_119 = vector.shape_cast %reduce_max3A_118 : vector<4xf32> to vector<1x4xf32>
    %sub3A_120 = vector.broadcast %broadcast_in_dim3A_119 : vector<1x4xf32> to vector<2048x4xf32>
    %sub3A_121 = arith.subf %add3A_117, %sub3A_120 : vector<2048x4xf32>
    %exp3A = math.exp %sub3A_121 : vector<2048x4xf32>
    %reduce_sum3A_122 = arith.constant dense<0.000000e+00> : vector<4xf32>
    %reduce_sum3A_123 = vector.multi_reduction <add>, %exp3A, %reduce_sum3A_122 [0] : vector<2048x4xf32> to vector<4xf32>
    %broadcast_in_dim3A_124 = vector.shape_cast %reduce_sum3A_123 : vector<4xf32> to vector<1x4xf32>
    %div3A = vector.broadcast %broadcast_in_dim3A_124 : vector<1x4xf32> to vector<2048x4xf32>
    %div3A_125 = arith.divf %exp3A, %div3A : vector<2048x4xf32>
    %slice3A_126 = vector.extract_strided_slice %div3A_125 {offsets = [0, 0], sizes = [2048, 1], strides = [1, 1]} : vector<2048x4xf32> to vector<2048x1xf32>
    %slice3A_127 = vector.extract_strided_slice %add3A_83 {offsets = [0, 0], sizes = [2048, 64], strides = [1, 1]} : vector<2048x256xf32> to vector<2048x64xf32>
    %mul3A_128 = vector.broadcast %slice3A_126 : vector<2048x1xf32> to vector<2048x64xf32>
    %mul3A_129 = arith.mulf %mul3A_128, %slice3A_127 : vector<2048x64xf32>
    %reduce_sum3A_130 = arith.constant dense<0.000000e+00> : vector<64xf32>
    %reduce_sum3A_131 = vector.multi_reduction <add>, %mul3A_129, %reduce_sum3A_130 [0] : vector<2048x64xf32> to vector<64xf32>
    %broadcast_in_dim3A_132 = vector.shape_cast %reduce_sum3A_131 : vector<64xf32> to vector<1x64xf32>
    %slice3A_133 = vector.extract_strided_slice %div3A_125 {offsets = [0, 1], sizes = [2048, 1], strides = [1, 1]} : vector<2048x4xf32> to vector<2048x1xf32>
    %slice3A_134 = vector.extract_strided_slice %add3A_83 {offsets = [0, 64], sizes = [2048, 64], strides = [1, 1]} : vector<2048x256xf32> to vector<2048x64xf32>
    %mul3A_135 = vector.broadcast %slice3A_133 : vector<2048x1xf32> to vector<2048x64xf32>
    %mul3A_136 = arith.mulf %mul3A_135, %slice3A_134 : vector<2048x64xf32>
    %reduce_sum3A_137 = arith.constant dense<0.000000e+00> : vector<64xf32>
    %reduce_sum3A_138 = vector.multi_reduction <add>, %mul3A_136, %reduce_sum3A_137 [0] : vector<2048x64xf32> to vector<64xf32>
    %broadcast_in_dim3A_139 = vector.shape_cast %reduce_sum3A_138 : vector<64xf32> to vector<1x64xf32>
    %slice3A_140 = vector.extract_strided_slice %div3A_125 {offsets = [0, 2], sizes = [2048, 1], strides = [1, 1]} : vector<2048x4xf32> to vector<2048x1xf32>
    %slice3A_141 = vector.extract_strided_slice %add3A_83 {offsets = [0, 128], sizes = [2048, 64], strides = [1, 1]} : vector<2048x256xf32> to vector<2048x64xf32>
    %mul3A_142 = vector.broadcast %slice3A_140 : vector<2048x1xf32> to vector<2048x64xf32>
    %mul3A_143 = arith.mulf %mul3A_142, %slice3A_141 : vector<2048x64xf32>
    %reduce_sum3A_144 = arith.constant dense<0.000000e+00> : vector<64xf32>
    %reduce_sum3A_145 = vector.multi_reduction <add>, %mul3A_143, %reduce_sum3A_144 [0] : vector<2048x64xf32> to vector<64xf32>
    %broadcast_in_dim3A_146 = vector.shape_cast %reduce_sum3A_145 : vector<64xf32> to vector<1x64xf32>
    %slice3A_147 = vector.extract_strided_slice %div3A_125 {offsets = [0, 3], sizes = [2048, 1], strides = [1, 1]} : vector<2048x4xf32> to vector<2048x1xf32>
    %slice3A_148 = vector.extract_strided_slice %add3A_83 {offsets = [0, 192], sizes = [2048, 64], strides = [1, 1]} : vector<2048x256xf32> to vector<2048x64xf32>
    %mul3A_149 = vector.broadcast %slice3A_147 : vector<2048x1xf32> to vector<2048x64xf32>
    %mul3A_150 = arith.mulf %mul3A_149, %slice3A_148 : vector<2048x64xf32>
    %reduce_sum3A_151 = arith.constant dense<0.000000e+00> : vector<64xf32>
    %reduce_sum3A_152 = vector.multi_reduction <add>, %mul3A_150, %reduce_sum3A_151 [0] : vector<2048x64xf32> to vector<64xf32>
    %broadcast_in_dim3A_153 = vector.shape_cast %reduce_sum3A_152 : vector<64xf32> to vector<1x64xf32>
    %concatenate3A_154 = tpu.concatenate %broadcast_in_dim3A_132, %broadcast_in_dim3A_139, %broadcast_in_dim3A_146, %broadcast_in_dim3A_153 in 1 : vector<1x64xf32>, vector<1x64xf32>, vector<1x64xf32>, vector<1x64xf32> -> vector<1x256xf32>
    %get3A_155 = arith.constant 0 : index
    %get3A_156 = arith.constant 0 : index
    %get3A_157 = vector.load %arg17[%get3A_155, %get3A_156] : memref<256x256xf32, #tpu.memory_space<vmem>>, vector<256x256xf32>
    %dot_general3A_158 = arith.constant dense<0.000000e+00> : vector<1x256xf32>
    %dot_general3A_159 = tpu.matmul %concatenate3A_154, %get3A_157, %dot_general3A_158 {dimension_numbers = #tpu.dot_dimension_numbers<[1], [0], [0], [1], [0, 0, 1, 1], [], []>, transpose_lhs_hint = false} : vector<1x256xf32>, vector<256x256xf32>, vector<1x256xf32> -> vector<1x256xf32>
    %get3A_160 = arith.constant 0 : index
    %get3A_161 = arith.constant 0 : index
    %get3A_162 = vector.load %arg18[%get3A_160, %get3A_161] : memref<1x256xf32, #tpu.memory_space<vmem>>, vector<1x256xf32>
    %add3A_163 = arith.addf %dot_general3A_159, %get3A_162 : vector<1x256xf32>
    %reduce_max3A_164 = vector.shape_cast %reshape3A_12 : vector<2048x1xf32> to vector<1x2048x1xf32>
    %reduce_max3A_165 = arith.constant dense<0xFF800000> : vector<1xf32>
    %reduce_max3A_166 = vector.multi_reduction <maximumf>, %reduce_max3A_164, %reduce_max3A_165 [1, 2] : vector<1x2048x1xf32> to vector<1xf32>
    %reduce_max3A_167 = vector.shape_cast %reduce_max3A_166 : vector<1xf32> to vector<1x1x1xf32>
    %reduce_max3A_168 = vector.extract %reduce_max3A_167[0, 0, 0] : f32 from vector<1x1x1xf32>
    %gt3A = arith.constant 0.000000e+00 : f32
    %gt3A_169 = arith.cmpf ogt, %reduce_max3A_168, %gt3A : f32
    %select_n3A = arith.select %gt3A_169, %add3A_163, %add3A_54 : vector<1x256xf32>
    %get3A_170 = arith.constant 0 : index
    %get3A_171 = arith.constant 0 : index
    %get3A_172 = vector.load %arg19[%get3A_170, %get3A_171] : memref<256x256xf32, #tpu.memory_space<vmem>>, vector<256x256xf32>
    %dot_general3A_173 = arith.constant dense<0.000000e+00> : vector<1x256xf32>
    %dot_general3A_174 = tpu.matmul %select_n3A, %get3A_172, %dot_general3A_173 {dimension_numbers = #tpu.dot_dimension_numbers<[1], [0], [0], [1], [0, 0, 1, 1], [], []>, transpose_lhs_hint = false} : vector<1x256xf32>, vector<256x256xf32>, vector<1x256xf32> -> vector<1x256xf32>
    %get3A_175 = arith.constant 0 : index
    %get3A_176 = arith.constant 0 : index
    %get3A_177 = vector.load %arg20[%get3A_175, %get3A_176] : memref<1x256xf32, #tpu.memory_space<vmem>>, vector<1x256xf32>
    %add3A_178 = arith.addf %dot_general3A_174, %get3A_177 : vector<1x256xf32>
    %reshape3A_179 = vector.shape_cast %add3A_178 : vector<1x256xf32> to vector<1x1x256xf32>
    %swap3A = arith.constant 0 : index
    %swap3A_180 = arith.constant 0 : index
    %swap3A_181 = arith.constant 0 : index
    %swap3A_182 = vector.load %arg21[%swap3A, %swap3A_180, %swap3A_181] : memref<1x1x256xf32, #tpu.memory_space<vmem>>, vector<1x1x256xf32>
    tpu.vector_store %arg21[%swap3A, %swap3A_180, %swap3A_181], %reshape3A_179 {strides = array<i32>} : memref<1x1x256xf32, #tpu.memory_space<vmem>>, vector<1x1x256xf32>,
    return
  }
  func.func @transform_0(%arg0: i32) -> (i32, i32, i32) {
    %c0_i32 = arith.constant 0 : i32
    %c0_i32_0 = arith.constant 0 : i32
    %c0_i32_1 = arith.constant 0 : i32
    return %arg0, %c0_i32, %c0_i32_0 : i32, i32, i32
  }
  func.func @transform_1(%arg0: i32) -> (i32, i32, i32) {
    %c0_i32 = arith.constant 0 : i32
    %c0_i32_0 = arith.constant 0 : i32
    %c0_i32_1 = arith.constant 0 : i32
    return %arg0, %c0_i32, %c0_i32_0 : i32, i32, i32
  }
  func.func @transform_2(%arg0: i32) -> (i32, i32, i32) {
    %c0_i32 = arith.constant 0 : i32
    %c0_i32_0 = arith.constant 0 : i32
    %c0_i32_1 = arith.constant 0 : i32
    return %arg0, %c0_i32, %c0_i32_0 : i32, i32, i32
  }
  func.func @transform_3(%arg0: i32) -> (i32, i32, i32) {
    %c0_i32 = arith.constant 0 : i32
    %c0_i32_0 = arith.constant 0 : i32
    %c0_i32_1 = arith.constant 0 : i32
    return %arg0, %c0_i32, %c0_i32_0 : i32, i32, i32
  }
  func.func @transform_4(%arg0: i32) -> (i32, i32) {
    %c0_i32 = arith.constant 0 : i32
    %c0_i32_0 = arith.constant 0 : i32
    %c0_i32_1 = arith.constant 0 : i32
    return %c0_i32, %c0_i32_0 : i32, i32
  }
  func.func @transform_5(%arg0: i32) -> (i32, i32) {
    %c0_i32 = arith.constant 0 : i32
    %c0_i32_0 = arith.constant 0 : i32
    %c0_i32_1 = arith.constant 0 : i32
    return %c0_i32, %c0_i32_0 : i32, i32
  }
  func.func @transform_6(%arg0: i32) -> (i32, i32) {
    %c0_i32 = arith.constant 0 : i32
    %c0_i32_0 = arith.constant 0 : i32
    %c0_i32_1 = arith.constant 0 : i32
    return %c0_i32, %c0_i32_0 : i32, i32
  }
  func.func @transform_7(%arg0: i32) -> (i32, i32) {
    %c0_i32 = arith.constant 0 : i32
    %c0_i32_0 = arith.constant 0 : i32
    %c0_i32_1 = arith.constant 0 : i32
    return %c0_i32, %c0_i32_0 : i32, i32
  }
  func.func @transform_8(%arg0: i32) -> (i32, i32) {
    %c0_i32 = arith.constant 0 : i32
    %c0_i32_0 = arith.constant 0 : i32
    %c0_i32_1 = arith.constant 0 : i32
    return %c0_i32, %c0_i32_0 : i32, i32
  }
  func.func @transform_9(%arg0: i32) -> (i32, i32) {
    %c0_i32 = arith.constant 0 : i32
    %c0_i32_0 = arith.constant 0 : i32
    %c0_i32_1 = arith.constant 0 : i32
    return %c0_i32, %c0_i32_0 : i32, i32
  }
  func.func @transform_10(%arg0: i32) -> (i32, i32) {
    %c0_i32 = arith.constant 0 : i32
    %c0_i32_0 = arith.constant 0 : i32
    %c0_i32_1 = arith.constant 0 : i32
    return %c0_i32, %c0_i32_0 : i32, i32
  }
  func.func @transform_11(%arg0: i32) -> (i32, i32) {
    %c0_i32 = arith.constant 0 : i32
    %c0_i32_0 = arith.constant 0 : i32
    %c0_i32_1 = arith.constant 0 : i32
    return %c0_i32, %c0_i32_0 : i32, i32
  }
  func.func @transform_12(%arg0: i32) -> (i32, i32) {
    %c0_i32 = arith.constant 0 : i32
    %c0_i32_0 = arith.constant 0 : i32
    %c0_i32_1 = arith.constant 0 : i32
    return %c0_i32, %c0_i32_0 : i32, i32
  }
  func.func @transform_13(%arg0: i32) -> (i32, i32) {
    %c0_i32 = arith.constant 0 : i32
    %c0_i32_0 = arith.constant 0 : i32
    %c0_i32_1 = arith.constant 0 : i32
    return %c0_i32, %c0_i32_0 : i32, i32
  }
  func.func @transform_14(%arg0: i32) -> (i32, i32) {
    %c0_i32 = arith.constant 0 : i32
    %c0_i32_0 = arith.constant 0 : i32
    %c0_i32_1 = arith.constant 0 : i32
    return %c0_i32, %c0_i32_0 : i32, i32
  }
  func.func @transform_15(%arg0: i32) -> (i32, i32) {
    %c0_i32 = arith.constant 0 : i32
    %c0_i32_0 = arith.constant 0 : i32
    %c0_i32_1 = arith.constant 0 : i32
    return %c0_i32, %c0_i32_0 : i32, i32
  }
  func.func @transform_16(%arg0: i32) -> (i32, i32) {
    %c0_i32 = arith.constant 0 : i32
    %c0_i32_0 = arith.constant 0 : i32
    %c0_i32_1 = arith.constant 0 : i32
    return %c0_i32, %c0_i32_0 : i32, i32
  }
  func.func @transform_17(%arg0: i32) -> (i32, i32) {
    %c0_i32 = arith.constant 0 : i32
    %c0_i32_0 = arith.constant 0 : i32
    %c0_i32_1 = arith.constant 0 : i32
    return %c0_i32, %c0_i32_0 : i32, i32
  }
  func.func @transform_18(%arg0: i32) -> (i32, i32) {
    %c0_i32 = arith.constant 0 : i32
    %c0_i32_0 = arith.constant 0 : i32
    %c0_i32_1 = arith.constant 0 : i32
    return %c0_i32, %c0_i32_0 : i32, i32
  }
  func.func @transform_19(%arg0: i32) -> (i32, i32) {
    %c0_i32 = arith.constant 0 : i32
    %c0_i32_0 = arith.constant 0 : i32
    %c0_i32_1 = arith.constant 0 : i32
    return %c0_i32, %c0_i32_0 : i32, i32
  }
  func.func @transform_20(%arg0: i32) -> (i32, i32, i32) {
    %c0_i32 = arith.constant 0 : i32
    %c0_i32_0 = arith.constant 0 : i32
    %c0_i32_1 = arith.constant 0 : i32
    return %arg0, %c0_i32, %c0_i32_0 : i32, i32, i32
  }
}

</mosaic_0001>

<sc_bundles>
// kernel: gather_offload_async_start.1
scs
__scs_entry_jumppad:
0x0: {  	(pc) =	sbr.rel $0x88, $3  }
0x1: {  	(tag) =	ssettag $0x0;
	lr =	simm.s32 $0x1  }
0x2: {  	[smem:$0x3F91] =	sst lr;
	_ =	strace $0xD0000000  }
0x3: {  	_ = 	snop  }
0x4: {  	_ = 	snop  }
0x5: {  	_ = 	snop  }
0x6: {  	_ = 	snop  }
0x7: {  	_ = 	snop  }
__scs_overlays_trampoline_lowered:
0x8: {  	[smem:$0x3FA0] =	sst s0  }
0x9: {  	[smem:$0x3FA1] =	sst s1  }
0xa: {  	[smem:$0x3FA2] =	sst s2  }
0xb: {  	[smem:$0x3FA3] =	sst s3  }
0xc: {  	[smem:$0x3FA4] =	sst s4  }
0xd: {  	[smem:$0x3FA5] =	sst s5  }
0xe: {  	[smem:$0x3FA6] =	sst s6  }
0xf: {  	[smem:$0x3FA7] =	sst s7  }
0x10: {  	[smem:$0x3FA8] =	sst s8  }
0x11: {  	[smem:$0x3FA9] =	sst s9;
	s0 =	simm.s32 @!p0 $0x0  }
0x12: {  	s1 =	sld [smem:$0x3F8F];
	s0 =	simm.s32 @p0 $0x1  }
0x13: {  	[smem:$0x3FAA] =	sst s0;
	s0 =	simm.s32 @!p1 $0x0  }
0x14: {  	s2 =	sld [smem:$0x3F8E];
	s0 =	simm.s32 @p1 $0x1  }
0x15: {  	[smem:$0x3FAB] =	sst s0;
	s0 =	simm.s32 @!p2 $0x0  }
0x16: {  	s3 =	sld [smem:$0x3FDB];
	s0 =	simm.s32 @p2 $0x1  }
0x17: {  	s4 =	simm.s32 $0x1BF5;
	[smem:$0x3FAD] =	sst s0  }
0x18: {  	s0 =	sld [smem:$0x3F90];
	_ =	swait.ge [sflag:s4], $0x0  }
0x19: {  	s7 =	sld [smem:$0x3F91]  }
0x1a: {  	s8 =	sadd.s32 $0xFFFFE003, lr  }
0x1b: {  	s9 =	sadd.s32 $0xFFFFFEF7, lr;
	s5 =	simm.s32 $0xFFFFFFFF;
	p2 =	slt.u32 s8, $0xFFFFF086  }
0x1c: {  	p1 =	slt.u32 s9, $0xF7A;
	s5 =	simm.s32 @!p2 $0x0  }
0x1d: {  	s5 =	simm.s32 @p1 $0x1;
	p0 =	seq.s32 s7, s2  }
0x1e: {  	s7 =	smul.u32 @!p0 $0xF7A, s2;
	p2 =	seq.s32 @!p0 s5, $0x0  }
0x1f: {  	s9 =	smul.u32 $0xF7A, s1;
	s8 =	simm.s32 @!p0 $0x1BF5;
	p2 =	por !p2, p0  }
0x20: {  	[sflag:s8] =	ssyncset.s32 @!p0 $0xFFFFF086;
	s6 =	sadd.s32 @!p0 s3, s7;
	s7 =	simm.s32 @!p0 $0x108  }
0x21: {  	s3 =	sadd.s32 s3, s9;
	s6 =	sadd.s32 @!p0 $0x88, s6;
	s7 =	simm.s32 @p2 $0x1082  }
0x22: {  	[simem:s7], [sflag:s8] =	dma.local @!p0 [hbm:s6], $0xF7A  }
0x23: {  	s9 =	sor.u32 $0xD0000000, s2;
	s6 =	simm.s32 $0x108;
	_ =	swait.ge @!p0 [sflag:s8], $0x0  }
0x24: {  	s3 =	sadd.s32 $0x88, s3;
	s6 =	simm.s32 @!p1 $0x1082;
	[sflag:s4] =	ssyncset.s32 $0xFFFFF086  }
0x25: {  	[simem:s6], [sflag:s4] =	dma.local [hbm:s3], $0xF7A  }
0x26: {  	[smem:$0x3F91] =	sst s1;
	(tag) =	ssettag s2;
	_ =	strace s9  }
0x27: {  	s1 =	sld [smem:$0x3FA1]  }
0x28: {  	s2 =	sld [smem:$0x3FA2]  }
0x29: {  	s4 =	sld [smem:$0x3FA4]  }
0x2a: {  	p0 =	seq.s32 s5, $0x0;
	s5 =	sld [smem:$0x3FA5]  }
0x2b: {  	s6 =	sld [smem:$0x3FA6]  }
0x2c: {  	s7 =	sld [smem:$0x3FA7]  }
0x2d: {  	s3 =	simm.s32 $0x108;
	s8 =	sld [smem:$0x3FA8]  }
0x2e: {  	s3 =	simm.s32 @!p0 $0x1082;
	s9 =	sld [smem:$0x3FA9]  }
0x2f: {  	lr =	sadd.s32 s0, s3;
	s0 =	sld [smem:$0x3FA0]  }
0x30: {  	s3 =	sld [smem:$0x3FA3]  }
0x31: {  	[smem:$0x3FAC] =	sst s10  }
0x32: {  	s10 =	sld [smem:$0x3FAA];
	_ =	sdelay $0x3  }
0x33: {  	p0 =	seq.s32 s10, $0x1;
	s10 =	sld [smem:$0x3FAC];
	_ =	sdelay $0x3  }
0x34: {  	[smem:$0x3FAC] =	sst s10  }
0x35: {  	s10 =	sld [smem:$0x3FAB];
	_ =	sdelay $0x3  }
0x36: {  	p1 =	seq.s32 s10, $0x1;
	s10 =	sld [smem:$0x3FAC];
	_ =	sdelay $0x3  }
0x37: {  	[smem:$0x3FAC] =	sst s10  }
0x38: {  	s10 =	sld [smem:$0x3FAD]  }
0x39: {  	_ = 	snop;
	(pc) =	sbr.ind lr, $3  }
0x3a: {  	_ = 	snop  }
0x3b: {  	_ = 	snop  }
0x3c: {  	p2 =	seq.s32 s10, $0x1;
	s10 =	sld [smem:$0x3FAC]  }
0x3d: {  	_ =	shalt  }
0x3e: {  	_ =	shalt  }
0x3f: {  	_ =	shalt  }
0x40: {  	_ =	shalt  }
0x41: {  	_ =	shalt  }
0x42: {  	_ =	shalt  }
0x43: {  	_ =	shalt  }
0x44: {  	_ =	shalt  }
0x45: {  	_ =	shalt  }
0x46: {  	_ =	shalt  }
0x47: {  	_ =	shalt  }
0x48: {  	_ =	shalt  }
0x49: {  	_ =	shalt  }
0x4a: {  	_ =	shalt  }
0x4b: {  	_ =	shalt  }
0x4c: {  	_ =	shalt  }
0x4d: {  	_ =	shalt  }
0x4e: {  	_ =	shalt  }
0x4f: {  	_ =	shalt  }
0x50: {  	_ =	shalt  }
0x51: {  	_ =	shalt  }
0x52: {  	_ =	shalt  }
0x53: {  	_ =	shalt  }
0x54: {  	_ =	shalt  }
0x55: {  	_ =	shalt  }
0x56: {  	_ =	shalt  }
0x57: {  	_ =	shalt  }
0x58: {  	_ =	shalt  }
0x59: {  	_ =	shalt  }
0x5a: {  	_ =	shalt  }
0x5b: {  	_ =	shalt  }
0x5c: {  	_ =	shalt  }
0x5d: {  	_ =	shalt  }
0x5e: {  	_ =	shalt  }
0x5f: {  	_ =	shalt  }
0x60: {  	_ =	shalt  }
0x61: {  	_ =	shalt  }
0x62: {  	_ =	shalt  }
0x63: {  	_ =	shalt  }
0x64: {  	_ =	shalt  }
0x65: {  	_ =	shalt  }
0x66: {  	_ =	shalt  }
0x67: {  	_ =	shalt  }
0x68: {  	_ =	shalt  }
0x69: {  	_ =	shalt  }
0x6a: {  	_ =	shalt  }
0x6b: {  	_ =	shalt  }
0x6c: {  	_ =	shalt  }
0x6d: {  	_ =	shalt  }
0x6e: {  	_ =	shalt  }
0x6f: {  	_ =	shalt  }
0x70: {  	_ =	shalt  }
0x71: {  	_ =	shalt  }
0x72: {  	_ =	shalt  }
0x73: {  	_ =	shalt  }
0x74: {  	_ =	shalt  }
0x75: {  	_ =	shalt  }
0x76: {  	_ =	shalt  }
0x77: {  	_ =	shalt  }
0x78: {  	_ =	shalt  }
0x79: {  	_ =	shalt  }
0x7a: {  	_ =	shalt  }
0x7b: {  	_ =	shalt  }
0x7c: {  	_ =	shalt  }
0x7d: {  	_ =	shalt  }
0x7e: {  	_ =	shalt  }
0x7f: {  	_ =	shalt  }
0x80: {  	_ =	shalt  }
0x81: {  	_ =	shalt  }
0x82: {  	_ =	shalt  }
0x83: {  	_ =	shalt  }
0x84: {  	_ =	shalt  }
0x85: {  	_ =	shalt  }
0x86: {  	_ =	shalt  }
0x87: {  	_ =	shalt  }
.Lfunc_end0:
.L_simem_size_0:
called_computation.2_lowered:
.L_overlay_start_0:
0x88: {  	s2 =	sld [smem:$0x3FD9]  }
0x89: {  	s3 =	sld [smem:$0x3FFE];
	_ =	sdelay $0x1  }
0x8a: {  	s1 =	srdreg.scid  }
0x8b: {  	s0 =	sand.u32 $0x1, s1  }
0x8c: {  	s16 =	sshll.u32 s0, $0xA;
	s2 =	sadd.s32 s3, s2  }
0x8d: {  	s2 =	sadd.s32 s2, s16  }
0x8e: {  	[smem:$0x3FB8] =	sst s2  }
0x8f: {  	_ = 	snop  }
0x90: {  	(tm) =	ssettm $0x1  }
0x91: {  	s17 =	sld [smem:$0x3FFB];
	_ =	sdelay $0x3  }
0x92: {  	_ =	strace s17  }
0x93: {  	s2 =	sld [smem:$0x3FFC];
	_ =	sdelay $0x3  }
0x94: {  	_ =	strace s2  }
0x95: {  	s2 =	sld [smem:$0x3FFD];
	_ =	sdelay $0x3  }
0x96: {  	_ =	strace s2  }
0x97: {  	_ =	strace $0x8FFFFFFF  }
0x98: {  	s18 =	sld [smem:$0x3FDB];
	_ =	sdelay $0x1  }
0x99: {  	s19 =	simm.s32 $_scs_section_size  }
0x9a: {  	s4 =	simm.s32 $_size__tile_overlayer_lowered;
	s5 =	simm.s32 $_tile_overlayer_lowered  }
0x9b: {  	s22 =	simm.s32 $0x1BFF;
	s21 =	sshll.u32 s5, $0x1;
	s2 =	sadd.s32 s19, s18  }
0x9c: {  	s6 =	simm.s32 $0x0;
	s20 =	sshll.u32 s4, $0x1;
	s4 =	sadd.s32 s21, s2  }
0x9d: {  	[timem:s6], [sflag:s22] =	dma.local [hbm:s4], s20  }
0x9e: {  	_ =	swait.ge [sflag:s22], s20  }
0x9f: {  	s3 =	ssub.s32 $0x0, s20;
	[sflag:s22] =	ssyncset.done $0x0  }
0xa0: {  	[sflag:s22] =	ssyncadd.s32 s3;
	_ =	sdelay $0x1  }
0xa1: {  	s23 =	simm.s32 $0x1B8B  }
0xa2: {  	_ =	swait.ge [sflag:s23], $0x1  }
0xa3: {  	[sflag:s23] =	ssyncset.done $0x0  }
0xa4: {  	s25 =	simm.s32 $0x1B8E;
	s24 =	sld [smem:$0x3FFE];
	[sflag:s23] =	ssyncadd.s32 $0xFFFFFFFF  }
0xa5: {  	s26 =	simm.s32 $execute0_lowered;
	[smem:$0x3FD2] =	sst s25  }
0xa6: {  	s4 =	sshll.u32 s26, $0x1;
	_ =	strace $0x8000004C;
	[dreg:$0x1] =	wrdreg $0xFFFFFFFF  }
0xa7: {  	s28 =	simm.s32 $_size_execute0_lowered;
	s2 =	sadd.s32 s2, s4;
	[dreg:$0x0] =	wrdreg $0x0  }
0xa8: {  	s4 =	sshll.u32 s28, $0x1;
	[dreg:$0x2] =	wrdreg s2  }
0xa9: {  	[dreg:$0x3] =	wrdreg s4  }
0xaa: {  	[dreg:$0x4] =	wrdreg $0xC0  }
0xab: {  	_ =	task [dreg:s6], $0x5FFFF  }
0xac: {  	[dreg:$0x1] =	wrdreg $0xFFFFFFFF  }
0xad: {  	[dreg:$0x0] =	wrdreg $0x60  }
0xae: {  	[dreg:$0x2] =	wrdreg s24  }
0xaf: {  	[dreg:$0x3] =	wrdreg $0x9  }
0xb0: {  	_ =	task.clear_ibuf [dreg:s6], $0x4FFFF;
	_ =	strace $0x9000004C  }
0xb1: {  	s29 =	simm.s32 $0x9;
	_ =	strace $0x8000004E  }
0xb2: {  	_ =	swait.ge [sflag:s29], $0x1  }
0xb3: {  	[sflag:s29] =	ssyncadd.s32 $0xFFFFFFFF  }
0xb4: {  	_ =	strace $0x9000004E  }
0xb5: {  	_ =	sfence  }
0xb6: {  	s30 =	sld [smem:$0x0];
	_ =	sdelay $0x2  }
0xb7: {  	s31 =	sshll.u32 s1, $0xD;
	s1 =	sshrl.u32 s1, $0x2  }
0xb8: {  	s3 =	sand.u32 $0x4000, s31;
	s1 =	sadd.s32 s1, s30  }
0xb9: {  	s0 =	sor.u32 s3, s0;
	s1 =	sshll.u32 s1, $0x11  }
0xba: {  	s0 =	sor.u32 s1, s0  }
0xbb: {  	s0 =	sadd.s32 $0x8F2B, s0  }
0xbc: {  	[sflag:s0] =	ssyncadd.remote.s32 $0x1  }
0xbd: {  	_ =	sfence.sel $0xFFFF  }
0xbe: {  	[dreg:$0x0] =	wrdreg $0xFFFFFFFF;
	(pc) =	sbr.abs _section_cstart, $3  }
0xbf: {  	[dreg:$0x1] =	wrdreg $0xFFFFFFFF  }
0xc0: {  	_ =	task.clear_ibuf [dreg:s6], $0x2FFFF;
	_ =	strace $0x9FFFFFFF  }
0xc1: {  	(tm) =	ssettm $0x7FFFFFFF  }
tec
execute0_lowered:
.L_overlay_start_1:
0x0: {  	(tag) =	ssettag $0x1  }
0x1: {  	s0 =	srdreg.scid;
	s5 =	rddreg [dreg:$0x0]  }
0x2: {  	s1 =	stileid.u32;
	s6 =	simm.s32 $0x1;
	s9 =	simm.s32 $0x1  }
0x3: {  	s10 =	simm.s32 $0x3;
	s13 =	simm.s32 $0x0;
	s2 =	sshll.u32 s0, $0xC  }
0x4: {  	s12 =	simm.s32 $0x0;
	s3 =	sshll.u32 s1, $0xD;
	s2 =	sand.u32 $0x1000, s2  }
0x5: {  	s0 =	rddreg [dreg:$0x1];
	_ =	strace $0x8000004D;
	s2 =	sor.u32 s3, s2  }
0x6: {  	s4 =	sadd.s32 $0x22600, s5;
	[sflag:s6] =	ssyncpa.u1 $0x0;
	s8 =	ssub.s32 $0x40000, s2  }
.Ltmp0:
0x7: {  	s3 =	sadd.s32 $0x4E00, s5;
	s7 =	sand.u32 $0x1F000, s8;
	(pc) =	sbr.rel .LBB2_1-.Ltmp0, $4  }
0x8: {  	s5 =	sadd.s32 $0x2A600, s5;
	s11 =	smov.u32 s2;
	p0 =	sne.s32 s7, $0x0  }
0x9: {  	s8 =	sshrl.u32 s8, $0x11;
	s7 =	simm.s32 $0x2;
	s9 =	simm.s32 @!p0 $0x0  }
0xa: {  	[sflag:s7] =	ssyncpa.u1 $0x0;
	p0 =	por $0x0, $0x0;
	s8 =	sadd.s32 s9, s8  }
0xb: {  	vm0 =	vmmov $0xffff;
	[sflag:s10] =	ssyncpa.u1 $0x0;
	s10 =	simm.s32 $0x0;
	s9 =	sadd.s32 $0x1, s8  }
.LBB2_4:
0xc: {  	v2 =	vnsel vm1, $0x0, v2  }
0xd: {  	vm1 =	vgt.s32 v0, $0x0;
	v2 =	vmin.u32 v2, $0x270FF  }
0xe: {  	v0 =	vnsel vm1, $0x0, v0  }
0xf: {  	v0 =	vmin.u32 v0, $0x270FF  }
0x10: {  	[tilespmem:s15], [sflag:$0x1] =	stream.indirect_vreg.gather [hbm4b:s3+s10], $0x1, v1, vm0, $0x4038;
	[tilespmem:$0x4000] =	vst v63  }
0x11: {  	(ifvalue) =	ssetifvalue $0x7FFFFFFF  }
0x12: {  	[tilespmem:s16], [sflag:$0x1] =	stream.indirect_vreg.gather [hbm4b:s3+s10], $0x1, v2, vm0, $0x4038;
	[tilespmem:$0x4000] =	vst v63  }
0x13: {  	s29 =	sadd.s32 $0x10, s16;
	(ifvalue) =	ssetifvalue $0x7FFFFFFF  }
0x14: {  	[tilespmem:s29], [sflag:$0x1] =	stream.indirect_vreg.gather [hbm4b:s3+s10], $0x1, v0, vm0, $0x4038;
	[tilespmem:$0x4000] =	vst v63  }
0x15: {  	_ =	swait.ge [sflag:s6], $0x1000  }
0x16: {  	s30 =	sshrl.u32 s13, $0x3;
	[sflag:s6] =	ssyncset.done $0x0  }
0x17: {  	s31 =	sand.u32 $0x7, s13;
	s15 =	sadd.s32 s5, s30;
	[sflag:s6] =	ssyncadd.s32 $0xFFFFF000  }
0x18: {  	[hbm4b:s15+s31] =	stream.linear.scatter [tilespmem:s14], [sflag:$0x3], $0x1000, $0x38;
	[tilespmem:$0x4000] =	vst v63  }
.LBB2_5:
0x19: {  	s15 =	sadd.s32 $0x20000, s11  }
0x1a: {  	p2 =	sgt.s32 s15, $0x3FFFF  }
0x1b: {  	s15 =	smov.u32 @p2 s2;
	p2 =	sne.s32 s12, s9  }
.Ltmp1:
0x1c: {  	p1 =	slt.u32 s12, $0x2;
	(pc) =	sbr.rel @!p2 .LBB2_6-.Ltmp1, $4  }
0x1d: {  	s14 =	simm.s32 @!p1 $0x3  }
0x1e: {  	s16 =	sadd.s32 $0x1, s12;
	_ =	swait.ge @!p1 [sflag:s14], $0x1000  }
0x1f: {  	s13 =	smov.u32 s11;
	p0 =	por !p0, !p0;
	[sflag:s14] =	ssyncset.done @!p1 $0x0  }
0x20: {  	s12 =	smov.u32 s16;
	s11 =	smov.u32 s15;
	[sflag:s14] =	ssyncadd.s32 @!p1 $0xFFFFF000  }
.LBB2_1:
0x21: {  	p1 =	sge.u32 s12, s8  }
0x22: {  	s14 =	sxor.u32 @!p1 $0xFFFFFFFF, s12  }
0x23: {  	s31 =	sadd.s32 $0xFFFFFFFF, s12;
	s15 =	sshrl.u32 @!p1 s11, $0x3;
	s14 =	sshll.u32 @!p1 s14, $0xC  }
0x24: {  	s16 =	sand.u32 @!p1 $0x7, s11;
	s15 =	sadd.s32 @!p1 s4, s15;
	s14 =	sand.u32 @!p1 $0x1000, s14  }
0x25: {  	[tilespmem:s14], [sflag:$0x2] =	stream.linear.gather @!p1 [hbm4b:s15+s16], $0x1000, $0x38;
	[tilespmem:$0x4000] =	vst v63  }
0x26: {  	p1 =	sge.u32 s31, s8  }
.Ltmp2:
0x27: {  	_ = 	snop;
	(pc) =	sbr.rel @p1 .LBB2_5-.Ltmp2, $1  }
0x28: {  	_ =	sdelay $0x3  }
0x29: {  	s14 =	simm.s32 $0x1  }
0x2a: {  	_ =	swait.ge [sflag:s7], $0x1000;
	s14 =	simm.s32 @!p0 $0x0  }
0x2b: {  	[sflag:s7] =	ssyncset.done $0x0;
	s14 =	sshll.u32 s14, $0xC  }
0x2c: {  	[sflag:s7] =	ssyncadd.s32 $0xFFFFF000;
	(ifvalue) =	ssetifvalue $0x7FFFFFFF;
	v0 =	vld.msk [tilespmem:s14+$0x0 ss:$0x1], $0xffff;
	_ =	sdelay $0x4  }
0x2d: {  	s15 =	sadd.s32 $0x10, s14;
	vm1 =	vgt.s32 v0, $0x0  }
0x2e: {  	v2 =	vld.msk [tilespmem:s15+$0x0 ss:$0x1], $0xffff;
	v1 =	vnsel vm1, $0x0, v0  }
0x2f: {  	v1 =	vmin.u32 v1, $0x270FF;
	_ =	sdelay $0x1  }
0x30: {  	s16 =	sshll.u32 s12, $0xC;
	s18 =	simm.s32 $0x20  }
0x31: {  	s16 =	sand.u32 $0x1000, s16;
	s17 =	sadd.s32 $0x10, s15;
	s15 =	sor.u32 $0x2000, s14  }
0x32: {  	s14 =	sor.u32 $0x2000, s16;
	s16 =	sadd.s32 $0x10, s15;
	v0 =	vld.msk [tilespmem:s17+$0x0 ss:$0x1], $0xffff;
	vm1 =	vgt.s32 v2, $0x0;
	(ifvalue) =	ssetifvalue $0x7FFFFFFF  }
.LBB2_3:
0x33: {  	[tilespmem:s15], [sflag:$0x1] =	stream.indirect_vreg.gather [hbm4b:s3+s10], $0x1, v1, vm0, $0x4038;
	[tilespmem:$0x4000] =	vst v63  }
0x34: {  	s18 =	sadd.s32 $0x10, s18  }
0x35: {  	v2 =	vnsel vm1, $0x0, v2;
	p1 =	slt.u32 s18, $0xFF0  }
.Ltmp3:
0x36: {  	s15 =	smov.u32 s16;
	v1 =	vmin.u32 v2, $0x270FF;
	(pc) =	sbr.rel @p1 .LBB2_3-.Ltmp3, $3  }
0x37: {  	_ =	sdelay $0x1  }
0x38: {  	s17 =	sadd.s32 $0x10, s17  }
0x39: {  	vm1 =	vgt.s32 v0, $0x0;
	s16 =	sadd.s32 $0x10, s16;
	v2 =	vmov v0;
	(ifvalue) =	ssetifvalue $0x7FFFFFFF;
	v0 =	vld.msk [tilespmem:s17+$0x0 ss:$0x1], $0xffff  }
.Ltmp4:
0x3a: {  	_ = 	snop;
	(pc) =	sbr.rel .LBB2_4-.Ltmp4, $1  }
0x3b: {  	_ =	sdelay $0x3  }
.LBB2_6:
0x3c: {  	_ =	sfence.sel $0x180000  }
0x3d: {  	s2 =	simm.s32 $0x2;
	[bflag:$0x0] =	sbarrier.arrive $0xFFFF  }
0x3e: {  	s30 =	simm.s32 $0x3;
	[sflag:s2] =	ssyncpa.u1 $0x1  }
0x3f: {  	s31 =	simm.s32 $0x1;
	[sflag:s30] =	ssyncpa.u1 $0x1  }
0x40: {  	[sflag:s31] =	ssyncpa.u1 $0x1  }
0x41: {  	p0 =	sne.s32 s1, $0x0;
	_ =	strace $0x9000004D  }
0x42: {  	s0 =	sadd.s32 @!p0 $0x100000, s0;
	[bflag:$0x2] =	sbarrier.arrive $0xFFFF  }
0x43: {  	[sflag:s0] =	ssyncadd.tile.s32 @!p0 $0x1;
	_ =	shalt  }
.Lfunc_end2:
_tile_overlayer_lowered:
.L_overlay_start_2:
0x44: {  	(tag) =	ssettag $0x2  }
0x45: {  	s0 =	rddreg [dreg:$0x0];
	s2 =	stileid.u32  }
0x46: {  	s1 =	rddreg [dreg:$0x1];
	p0 =	sne.s32 s2, $0x0  }
0x47: {  	s3 =	rddreg [dreg:$0x2];
	[bflag:$0x3] =	sbarrier.arrive $0xFFFF;
	s2 =	simm.s32 @!p0 $0x1C01  }
0x48: {  	[timem:s3], [sflag:s2] =	dma.local @!p0 [hbm:s0], s1  }
0x49: {  	s0 =	simm.s32 @!p0 $0x1  }
0x4a: {  	_ =	swait.ge @!p0 [sflag:s0], s1  }
0x4b: {  	s1 =	ssub.s32 @!p0 $0x0, s1;
	[sflag:s0] =	ssyncset.done @!p0 $0x0  }
0x4c: {  	[sflag:s0] =	ssyncadd.s32 @!p0 s1  }
0x4d: {  	[bflag:$0x3] =	sbarrier.arrive $0xFFFF  }
0x4e: {  	_ =	shalt  }

// kernel: gather_offload_async_start.2
scs
__scs_entry_jumppad:
0x0: {  	(pc) =	sbr.rel $0x88, $3  }
0x1: {  	(tag) =	ssettag $0x0;
	lr =	simm.s32 $0x1  }
0x2: {  	[smem:$0x3F91] =	sst lr;
	_ =	strace $0xD0000000  }
0x3: {  	_ = 	snop  }
0x4: {  	_ = 	snop  }
0x5: {  	_ = 	snop  }
0x6: {  	_ = 	snop  }
0x7: {  	_ = 	snop  }
__scs_overlays_trampoline_lowered:
0x8: {  	[smem:$0x3FA0] =	sst s0  }
0x9: {  	[smem:$0x3FA1] =	sst s1  }
0xa: {  	[smem:$0x3FA2] =	sst s2  }
0xb: {  	[smem:$0x3FA3] =	sst s3  }
0xc: {  	[smem:$0x3FA4] =	sst s4  }
0xd: {  	[smem:$0x3FA5] =	sst s5  }
0xe: {  	[smem:$0x3FA6] =	sst s6  }
0xf: {  	[smem:$0x3FA7] =	sst s7  }
0x10: {  	[smem:$0x3FA8] =	sst s8  }
0x11: {  	[smem:$0x3FA9] =	sst s9;
	s0 =	simm.s32 @!p0 $0x0  }
0x12: {  	s1 =	sld [smem:$0x3F8F];
	s0 =	simm.s32 @p0 $0x1  }
0x13: {  	[smem:$0x3FAA] =	sst s0;
	s0 =	simm.s32 @!p1 $0x0  }
0x14: {  	s2 =	sld [smem:$0x3F8E];
	s0 =	simm.s32 @p1 $0x1  }
0x15: {  	[smem:$0x3FAB] =	sst s0;
	s0 =	simm.s32 @!p2 $0x0  }
0x16: {  	s3 =	sld [smem:$0x3FDB];
	s0 =	simm.s32 @p2 $0x1  }
0x17: {  	s4 =	simm.s32 $0x1BF5;
	[smem:$0x3FAD] =	sst s0  }
0x18: {  	s0 =	sld [smem:$0x3F90];
	_ =	swait.ge [sflag:s4], $0x0  }
0x19: {  	s7 =	sld [smem:$0x3F91]  }
0x1a: {  	s8 =	sadd.s32 $0xFFFFE003, lr  }
0x1b: {  	s9 =	sadd.s32 $0xFFFFFEF7, lr;
	s5 =	simm.s32 $0xFFFFFFFF;
	p2 =	slt.u32 s8, $0xFFFFF086  }
0x1c: {  	p1 =	slt.u32 s9, $0xF7A;
	s5 =	simm.s32 @!p2 $0x0  }
0x1d: {  	s5 =	simm.s32 @p1 $0x1;
	p0 =	seq.s32 s7, s2  }
0x1e: {  	s7 =	smul.u32 @!p0 $0xF7A, s2;
	p2 =	seq.s32 @!p0 s5, $0x0  }
0x1f: {  	s9 =	smul.u32 $0xF7A, s1;
	s8 =	simm.s32 @!p0 $0x1BF5;
	p2 =	por !p2, p0  }
0x20: {  	[sflag:s8] =	ssyncset.s32 @!p0 $0xFFFFF086;
	s6 =	sadd.s32 @!p0 s3, s7;
	s7 =	simm.s32 @!p0 $0x108  }
0x21: {  	s3 =	sadd.s32 s3, s9;
	s6 =	sadd.s32 @!p0 $0x88, s6;
	s7 =	simm.s32 @p2 $0x1082  }
0x22: {  	[simem:s7], [sflag:s8] =	dma.local @!p0 [hbm:s6], $0xF7A  }
0x23: {  	s9 =	sor.u32 $0xD0000000, s2;
	s6 =	simm.s32 $0x108;
	_ =	swait.ge @!p0 [sflag:s8], $0x0  }
0x24: {  	s3 =	sadd.s32 $0x88, s3;
	s6 =	simm.s32 @!p1 $0x1082;
	[sflag:s4] =	ssyncset.s32 $0xFFFFF086  }
0x25: {  	[simem:s6], [sflag:s4] =	dma.local [hbm:s3], $0xF7A  }
0x26: {  	[smem:$0x3F91] =	sst s1;
	(tag) =	ssettag s2;
	_ =	strace s9  }
0x27: {  	s1 =	sld [smem:$0x3FA1]  }
0x28: {  	s2 =	sld [smem:$0x3FA2]  }
0x29: {  	s4 =	sld [smem:$0x3FA4]  }
0x2a: {  	p0 =	seq.s32 s5, $0x0;
	s5 =	sld [smem:$0x3FA5]  }
0x2b: {  	s6 =	sld [smem:$0x3FA6]  }
0x2c: {  	s7 =	sld [smem:$0x3FA7]  }
0x2d: {  	s3 =	simm.s32 $0x108;
	s8 =	sld [smem:$0x3FA8]  }
0x2e: {  	s3 =	simm.s32 @!p0 $0x1082;
	s9 =	sld [smem:$0x3FA9]  }
0x2f: {  	lr =	sadd.s32 s0, s3;
	s0 =	sld [smem:$0x3FA0]  }
0x30: {  	s3 =	sld [smem:$0x3FA3]  }
0x31: {  	[smem:$0x3FAC] =	sst s10  }
0x32: {  	s10 =	sld [smem:$0x3FAA];
	_ =	sdelay $0x3  }
0x33: {  	p0 =	seq.s32 s10, $0x1;
	s10 =	sld [smem:$0x3FAC];
	_ =	sdelay $0x3  }
0x34: {  	[smem:$0x3FAC] =	sst s10  }
0x35: {  	s10 =	sld [smem:$0x3FAB];
	_ =	sdelay $0x3  }
0x36: {  	p1 =	seq.s32 s10, $0x1;
	s10 =	sld [smem:$0x3FAC];
	_ =	sdelay $0x3  }
0x37: {  	[smem:$0x3FAC] =	sst s10  }
0x38: {  	s10 =	sld [smem:$0x3FAD]  }
0x39: {  	_ = 	snop;
	(pc) =	sbr.ind lr, $3  }
0x3a: {  	_ = 	snop  }
0x3b: {  	_ = 	snop  }
0x3c: {  	p2 =	seq.s32 s10, $0x1;
	s10 =	sld [smem:$0x3FAC]  }
0x3d: {  	_ =	shalt  }
0x3e: {  	_ =	shalt  }
0x3f: {  	_ =	shalt  }
0x40: {  	_ =	shalt  }
0x41: {  	_ =	shalt  }
0x42: {  	_ =	shalt  }
0x43: {  	_ =	shalt  }
0x44: {  	_ =	shalt  }
0x45: {  	_ =	shalt  }
0x46: {  	_ =	shalt  }
0x47: {  	_ =	shalt  }
0x48: {  	_ =	shalt  }
0x49: {  	_ =	shalt  }
0x4a: {  	_ =	shalt  }
0x4b: {  	_ =	shalt  }
0x4c: {  	_ =	shalt  }
0x4d: {  	_ =	shalt  }
0x4e: {  	_ =	shalt  }
0x4f: {  	_ =	shalt  }
0x50: {  	_ =	shalt  }
0x51: {  	_ =	shalt  }
0x52: {  	_ =	shalt  }
0x53: {  	_ =	shalt  }
0x54: {  	_ =	shalt  }
0x55: {  	_ =	shalt  }
0x56: {  	_ =	shalt  }
0x57: {  	_ =	shalt  }
0x58: {  	_ =	shalt  }
0x59: {  	_ =	shalt  }
0x5a: {  	_ =	shalt  }
0x5b: {  	_ =	shalt  }
0x5c: {  	_ =	shalt  }
0x5d: {  	_ =	shalt  }
0x5e: {  	_ =	shalt  }
0x5f: {  	_ =	shalt  }
0x60: {  	_ =	shalt  }
0x61: {  	_ =	shalt  }
0x62: {  	_ =	shalt  }
0x63: {  	_ =	shalt  }
0x64: {  	_ =	shalt  }
0x65: {  	_ =	shalt  }
0x66: {  	_ =	shalt  }
0x67: {  	_ =	shalt  }
0x68: {  	_ =	shalt  }
0x69: {  	_ =	shalt  }
0x6a: {  	_ =	shalt  }
0x6b: {  	_ =	shalt  }
0x6c: {  	_ =	shalt  }
0x6d: {  	_ =	shalt  }
0x6e: {  	_ =	shalt  }
0x6f: {  	_ =	shalt  }
0x70: {  	_ =	shalt  }
0x71: {  	_ =	shalt  }
0x72: {  	_ =	shalt  }
0x73: {  	_ =	shalt  }
0x74: {  	_ =	shalt  }
0x75: {  	_ =	shalt  }
0x76: {  	_ =	shalt  }
0x77: {  	_ =	shalt  }
0x78: {  	_ =	shalt  }
0x79: {  	_ =	shalt  }
0x7a: {  	_ =	shalt  }
0x7b: {  	_ =	shalt  }
0x7c: {  	_ =	shalt  }
0x7d: {  	_ =	shalt  }
0x7e: {  	_ =	shalt  }
0x7f: {  	_ =	shalt  }
0x80: {  	_ =	shalt  }
0x81: {  	_ =	shalt  }
0x82: {  	_ =	shalt  }
0x83: {  	_ =	shalt  }
0x84: {  	_ =	shalt  }
0x85: {  	_ =	shalt  }
0x86: {  	_ =	shalt  }
0x87: {  	_ =	shalt  }
.Lfunc_end0:
.L_simem_size_0:
called_computation.3_lowered:
.L_overlay_start_0:
0x88: {  	s2 =	sld [smem:$0x3FD9]  }
0x89: {  	s3 =	sld [smem:$0x3FFE];
	_ =	sdelay $0x1  }
0x8a: {  	s1 =	srdreg.scid  }
0x8b: {  	s0 =	sand.u32 $0x1, s1  }
0x8c: {  	s17 =	sshll.u32 s0, $0xA;
	s2 =	sadd.s32 s3, s2  }
0x8d: {  	s2 =	sadd.s32 s2, s17  }
0x8e: {  	[smem:$0x3FB8] =	sst s2  }
0x8f: {  	_ = 	snop  }
0x90: {  	(tm) =	ssettm $0x1  }
0x91: {  	s18 =	sld [smem:$0x3FFB];
	_ =	sdelay $0x3  }
0x92: {  	_ =	strace s18  }
0x93: {  	s2 =	sld [smem:$0x3FFC];
	_ =	sdelay $0x3  }
0x94: {  	_ =	strace s2  }
0x95: {  	s2 =	sld [smem:$0x3FFD];
	_ =	sdelay $0x3  }
0x96: {  	_ =	strace s2  }
0x97: {  	_ =	strace $0x8FFFFFFF  }
0x98: {  	s19 =	sld [smem:$0x3FDB];
	_ =	sdelay $0x1  }
0x99: {  	s20 =	simm.s32 $_scs_section_size  }
0x9a: {  	s4 =	simm.s32 $_size__tile_overlayer_lowered;
	s5 =	simm.s32 $_tile_overlayer_lowered  }
0x9b: {  	s6 =	simm.s32 $0x1BFF;
	s21 =	sshll.u32 s5, $0x1;
	s3 =	sadd.s32 s20, s19  }
0x9c: {  	s22 =	simm.s32 $0x0;
	s4 =	sshll.u32 s4, $0x1;
	s5 =	sadd.s32 s21, s3  }
0x9d: {  	[timem:s22], [sflag:s6] =	dma.local [hbm:s5], s4  }
0x9e: {  	_ =	swait.ge [sflag:s6], s4  }
0x9f: {  	s4 =	ssub.s32 $0x0, s4;
	[sflag:s6] =	ssyncset.done $0x0  }
0xa0: {  	[sflag:s6] =	ssyncadd.s32 s4;
	_ =	sdelay $0x1  }
0xa1: {  	s23 =	simm.s32 $0x1B8B  }
0xa2: {  	_ =	swait.ge [sflag:s23], $0x1  }
0xa3: {  	[sflag:s23] =	ssyncset.done $0x0  }
0xa4: {  	[sflag:s23] =	ssyncadd.s32 $0xFFFFFFFF  }
0xa5: {  	s4 =	sld [smem:$0x0]  }
0xa6: {  	s5 =	sand.u32 $0xFFFFFFFE, s1  }
0xa7: {  	p0 =	sne.s32 s1, s5  }
0xa8: {  	s5 =	sshll.u32 @p0 s5, $0xE  }
0xa9: {  	s5 =	sadd.s32 @p0 $0x11B8D, s5;
	s6 =	sshll.u32 @p0 s4, $0x11  }
0xaa: {  	s5 =	sor.u32 @p0 s6, s5  }
0xab: {  	[sflag:s5] =	ssyncadd.remote.s32 @p0 $0x1;
	_ =	sdelay $0x1  }
0xac: {  	s5 =	simm.s32 @p0 $0x1B8D  }
0xad: {  	_ =	swait.eq @p0 [sflag:s5], $0x1  }
0xae: {  	[sflag:s5] =	ssyncadd.s32 @p0 $0xFFFFFFFF  }
0xaf: {  	s6 =	sshll.u32 @!p0 s1, $0xE  }
0xb0: {  	s6 =	sor.u32 @!p0 $0x4000, s6;
	s5 =	simm.s32 @!p0 $0x1B8D  }
0xb1: {  	s4 =	sshll.u32 @!p0 s4, $0x11;
	s6 =	sadd.s32 @!p0 $0x11B8D, s6;
	_ =	swait.eq @!p0 [sflag:s5], $0x1  }
0xb2: {  	s4 =	sor.u32 @!p0 s4, s6;
	[sflag:s5] =	ssyncadd.s32 @!p0 $0xFFFFFFFF  }
0xb3: {  	s25 =	simm.s32 $0x1B8E;
	s24 =	sld [smem:$0x3FFE];
	[sflag:s4] =	ssyncadd.remote.s32 @!p0 $0x1  }
0xb4: {  	s26 =	simm.s32 $execute0_lowered;
	[smem:$0x3FD2] =	sst s25  }
0xb5: {  	s5 =	sshll.u32 s26, $0x1;
	_ =	strace $0x8000004F;
	[dreg:$0x1] =	wrdreg $0xFFFFFFFF  }
0xb6: {  	s28 =	simm.s32 $_size_execute0_lowered;
	s3 =	sadd.s32 s3, s5;
	[dreg:$0x0] =	wrdreg $0x0  }
0xb7: {  	s5 =	sshll.u32 s28, $0x1;
	[dreg:$0x2] =	wrdreg s3  }
0xb8: {  	[dreg:$0x3] =	wrdreg s5  }
0xb9: {  	[dreg:$0x4] =	wrdreg $0xC0  }
0xba: {  	_ =	task [dreg:s22], $0x5FFFF  }
0xbb: {  	[dreg:$0x1] =	wrdreg $0xFFFFFFFF  }
0xbc: {  	[dreg:$0x0] =	wrdreg $0x60  }
0xbd: {  	[dreg:$0x2] =	wrdreg s24  }
0xbe: {  	[dreg:$0x3] =	wrdreg $0xA  }
0xbf: {  	_ =	task.clear_ibuf [dreg:s22], $0x4FFFF;
	_ =	strace $0x9000004F  }
0xc0: {  	s29 =	simm.s32 $0xA;
	_ =	strace $0x80000051  }
0xc1: {  	_ =	swait.ge [sflag:s29], $0x1  }
0xc2: {  	[sflag:s29] =	ssyncadd.s32 $0xFFFFFFFF  }
0xc3: {  	_ =	strace $0x90000051  }
0xc4: {  	_ =	sfence  }
0xc5: {  	s30 =	sld [smem:$0x0];
	_ =	sdelay $0x2  }
0xc6: {  	s31 =	sshll.u32 s1, $0xD;
	s1 =	sshrl.u32 s1, $0x2  }
0xc7: {  	s4 =	sand.u32 $0x4000, s31;
	s1 =	sadd.s32 s1, s30  }
0xc8: {  	s0 =	sor.u32 s4, s0;
	s1 =	sshll.u32 s1, $0x11  }
0xc9: {  	s0 =	sor.u32 s1, s0  }
0xca: {  	s0 =	sadd.s32 $0x8F2B, s0  }
0xcb: {  	[sflag:s0] =	ssyncadd.remote.s32 $0x1  }
0xcc: {  	_ =	sfence.sel $0xFFFF  }
0xcd: {  	[dreg:$0x0] =	wrdreg $0xFFFFFFFF;
	(pc) =	sbr.abs _section_cstart, $3  }
0xce: {  	[dreg:$0x1] =	wrdreg $0xFFFFFFFF  }
0xcf: {  	_ =	task.clear_ibuf [dreg:s22], $0x2FFFF;
	_ =	strace $0x9FFFFFFF  }
0xd0: {  	(tm) =	ssettm $0x7FFFFFFF  }
0xd1: {  	_ =	shalt  }
tec
execute0_lowered:
.L_overlay_start_1:
0x0: {  	(tag) =	ssettag $0x1  }
0x1: {  	s0 =	srdreg.scid;
	s5 =	rddreg [dreg:$0x0]  }
0x2: {  	s1 =	stileid.u32;
	s6 =	simm.s32 $0x1;
	s9 =	simm.s32 $0x1  }
0x3: {  	s10 =	simm.s32 $0x3;
	s13 =	simm.s32 $0x0;
	s2 =	sshll.u32 s0, $0xC  }
0x4: {  	s12 =	simm.s32 $0x0;
	s3 =	sshll.u32 s1, $0xD;
	s2 =	sand.u32 $0x1000, s2  }
0x5: {  	s0 =	rddreg [dreg:$0x1];
	_ =	strace $0x80000050;
	s2 =	sor.u32 s3, s2  }
0x6: {  	s4 =	sadd.s32 $0x22600, s5;
	[sflag:s6] =	ssyncpa.u1 $0x0;
	s8 =	ssub.s32 $0x40000, s2  }
.Ltmp0:
0x7: {  	s3 =	sadd.s32 $0x9E00, s5;
	s7 =	sand.u32 $0x1F000, s8;
	(pc) =	sbr.rel .LBB2_1-.Ltmp0, $4  }
0x8: {  	s5 =	sadd.s32 $0x32600, s5;
	s11 =	smov.u32 s2;
	p0 =	sne.s32 s7, $0x0  }
0x9: {  	s8 =	sshrl.u32 s8, $0x11;
	s7 =	simm.s32 $0x2;
	s9 =	simm.s32 @!p0 $0x0  }
0xa: {  	[sflag:s7] =	ssyncpa.u1 $0x0;
	p0 =	por $0x0, $0x0;
	s8 =	sadd.s32 s9, s8  }
0xb: {  	vm0 =	vmmov $0xffff;
	[sflag:s10] =	ssyncpa.u1 $0x0;
	s10 =	simm.s32 $0x0;
	s9 =	sadd.s32 $0x1, s8  }
.LBB2_4:
0xc: {  	v2 =	vnsel vm1, $0x0, v2  }
0xd: {  	vm1 =	vgt.s32 v0, $0x0;
	v2 =	vmin.u32 v2, $0x270FF  }
0xe: {  	v0 =	vnsel vm1, $0x0, v0  }
0xf: {  	v0 =	vmin.u32 v0, $0x270FF  }
0x10: {  	[tilespmem:s15], [sflag:$0x1] =	stream.indirect_vreg.gather [hbm4b:s3+s10], $0x1, v1, vm0, $0x4038;
	[tilespmem:$0x4000] =	vst v63  }
0x11: {  	(ifvalue) =	ssetifvalue $0x7FFFFFFF  }
0x12: {  	[tilespmem:s16], [sflag:$0x1] =	stream.indirect_vreg.gather [hbm4b:s3+s10], $0x1, v2, vm0, $0x4038;
	[tilespmem:$0x4000] =	vst v63  }
0x13: {  	s29 =	sadd.s32 $0x10, s16;
	(ifvalue) =	ssetifvalue $0x7FFFFFFF  }
0x14: {  	[tilespmem:s29], [sflag:$0x1] =	stream.indirect_vreg.gather [hbm4b:s3+s10], $0x1, v0, vm0, $0x4038;
	[tilespmem:$0x4000] =	vst v63  }
0x15: {  	_ =	swait.ge [sflag:s6], $0x1000  }
0x16: {  	s30 =	sshrl.u32 s13, $0x3;
	[sflag:s6] =	ssyncset.done $0x0  }
0x17: {  	s31 =	sand.u32 $0x7, s13;
	s15 =	sadd.s32 s5, s30;
	[sflag:s6] =	ssyncadd.s32 $0xFFFFF000  }
0x18: {  	[hbm4b:s15+s31] =	stream.linear.scatter [tilespmem:s14], [sflag:$0x3], $0x1000, $0x38;
	[tilespmem:$0x4000] =	vst v63  }
.LBB2_5:
0x19: {  	s15 =	sadd.s32 $0x20000, s11  }
0x1a: {  	p2 =	sgt.s32 s15, $0x3FFFF  }
0x1b: {  	s15 =	smov.u32 @p2 s2;
	p2 =	sne.s32 s12, s9  }
.Ltmp1:
0x1c: {  	p1 =	slt.u32 s12, $0x2;
	(pc) =	sbr.rel @!p2 .LBB2_6-.Ltmp1, $4  }
0x1d: {  	s14 =	simm.s32 @!p1 $0x3  }
0x1e: {  	s16 =	sadd.s32 $0x1, s12;
	_ =	swait.ge @!p1 [sflag:s14], $0x1000  }
0x1f: {  	s13 =	smov.u32 s11;
	p0 =	por !p0, !p0;
	[sflag:s14] =	ssyncset.done @!p1 $0x0  }
0x20: {  	s12 =	smov.u32 s16;
	s11 =	smov.u32 s15;
	[sflag:s14] =	ssyncadd.s32 @!p1 $0xFFFFF000  }
.LBB2_1:
0x21: {  	p1 =	sge.u32 s12, s8  }
0x22: {  	s14 =	sxor.u32 @!p1 $0xFFFFFFFF, s12  }
0x23: {  	s31 =	sadd.s32 $0xFFFFFFFF, s12;
	s15 =	sshrl.u32 @!p1 s11, $0x3;
	s14 =	sshll.u32 @!p1 s14, $0xC  }
0x24: {  	s16 =	sand.u32 @!p1 $0x7, s11;
	s15 =	sadd.s32 @!p1 s4, s15;
	s14 =	sand.u32 @!p1 $0x1000, s14  }
0x25: {  	[tilespmem:s14], [sflag:$0x2] =	stream.linear.gather @!p1 [hbm4b:s15+s16], $0x1000, $0x38;
	[tilespmem:$0x4000] =	vst v63  }
0x26: {  	p1 =	sge.u32 s31, s8  }
.Ltmp2:
0x27: {  	_ = 	snop;
	(pc) =	sbr.rel @p1 .LBB2_5-.Ltmp2, $1  }
0x28: {  	_ =	sdelay $0x3  }
0x29: {  	s14 =	simm.s32 $0x1  }
0x2a: {  	_ =	swait.ge [sflag:s7], $0x1000;
	s14 =	simm.s32 @!p0 $0x0  }
0x2b: {  	[sflag:s7] =	ssyncset.done $0x0;
	s14 =	sshll.u32 s14, $0xC  }
0x2c: {  	[sflag:s7] =	ssyncadd.s32 $0xFFFFF000;
	(ifvalue) =	ssetifvalue $0x7FFFFFFF;
	v0 =	vld.msk [tilespmem:s14+$0x0 ss:$0x1], $0xffff;
	_ =	sdelay $0x4  }
0x2d: {  	s15 =	sadd.s32 $0x10, s14;
	vm1 =	vgt.s32 v0, $0x0  }
0x2e: {  	v2 =	vld.msk [tilespmem:s15+$0x0 ss:$0x1], $0xffff;
	v1 =	vnsel vm1, $0x0, v0  }
0x2f: {  	v1 =	vmin.u32 v1, $0x270FF;
	_ =	sdelay $0x1  }
0x30: {  	s16 =	sshll.u32 s12, $0xC;
	s18 =	simm.s32 $0x20  }
0x31: {  	s16 =	sand.u32 $0x1000, s16;
	s17 =	sadd.s32 $0x10, s15;
	s15 =	sor.u32 $0x2000, s14  }
0x32: {  	s14 =	sor.u32 $0x2000, s16;
	s16 =	sadd.s32 $0x10, s15;
	v0 =	vld.msk [tilespmem:s17+$0x0 ss:$0x1], $0xffff;
	vm1 =	vgt.s32 v2, $0x0;
	(ifvalue) =	ssetifvalue $0x7FFFFFFF  }
.LBB2_3:
0x33: {  	[tilespmem:s15], [sflag:$0x1] =	stream.indirect_vreg.gather [hbm4b:s3+s10], $0x1, v1, vm0, $0x4038;
	[tilespmem:$0x4000] =	vst v63  }
0x34: {  	s18 =	sadd.s32 $0x10, s18  }
0x35: {  	v2 =	vnsel vm1, $0x0, v2;
	p1 =	slt.u32 s18, $0xFF0  }
.Ltmp3:
0x36: {  	s15 =	smov.u32 s16;
	v1 =	vmin.u32 v2, $0x270FF;
	(pc) =	sbr.rel @p1 .LBB2_3-.Ltmp3, $3  }
0x37: {  	_ =	sdelay $0x1  }
0x38: {  	s17 =	sadd.s32 $0x10, s17  }
0x39: {  	vm1 =	vgt.s32 v0, $0x0;
	s16 =	sadd.s32 $0x10, s16;
	v2 =	vmov v0;
	(ifvalue) =	ssetifvalue $0x7FFFFFFF;
	v0 =	vld.msk [tilespmem:s17+$0x0 ss:$0x1], $0xffff  }
.Ltmp4:
0x3a: {  	_ = 	snop;
	(pc) =	sbr.rel .LBB2_4-.Ltmp4, $1  }
0x3b: {  	_ =	sdelay $0x3  }
.LBB2_6:
0x3c: {  	_ =	sfence.sel $0x180000  }
0x3d: {  	s2 =	simm.s32 $0x2;
	[bflag:$0x0] =	sbarrier.arrive $0xFFFF  }
0x3e: {  	s30 =	simm.s32 $0x3;
	[sflag:s2] =	ssyncpa.u1 $0x1  }
0x3f: {  	s31 =	simm.s32 $0x1;
	[sflag:s30] =	ssyncpa.u1 $0x1  }
0x40: {  	[sflag:s31] =	ssyncpa.u1 $0x1  }
0x41: {  	p0 =	sne.s32 s1, $0x0;
	_ =	strace $0x90000050  }
0x42: {  	s0 =	sadd.s32 @!p0 $0x100000, s0;
	[bflag:$0x2] =	sbarrier.arrive $0xFFFF  }
0x43: {  	[sflag:s0] =	ssyncadd.tile.s32 @!p0 $0x1;
	_ =	shalt  }
.Lfunc_end2:
_tile_overlayer_lowered:
.L_overlay_start_2:
0x44: {  	(tag) =	ssettag $0x2  }
0x45: {  	s0 =	rddreg [dreg:$0x0];
	s2 =	stileid.u32  }
0x46: {  	s1 =	rddreg [dreg:$0x1];
	p0 =	sne.s32 s2, $0x0  }
0x47: {  	s3 =	rddreg [dreg:$0x2];
	[bflag:$0x3] =	sbarrier.arrive $0xFFFF;
	s2 =	simm.s32 @!p0 $0x1C01  }
0x48: {  	[timem:s3], [sflag:s2] =	dma.local @!p0 [hbm:s0], s1  }
0x49: {  	s0 =	simm.s32 @!p0 $0x1  }
0x4a: {  	_ =	swait.ge @!p0 [sflag:s0], s1  }
0x4b: {  	s1 =	ssub.s32 @!p0 $0x0, s1;
	[sflag:s0] =	ssyncset.done @!p0 $0x0  }
0x4c: {  	[sflag:s0] =	ssyncadd.s32 @!p0 s1  }
0x4d: {  	[bflag:$0x3] =	sbarrier.arrive $0xFFFF  }
0x4e: {  	_ =	shalt  }

// kernel: gather_offload_async_start.3
scs
__scs_entry_jumppad:
0x0: {  	(pc) =	sbr.rel $0x88, $3  }
0x1: {  	(tag) =	ssettag $0x0;
	lr =	simm.s32 $0x1  }
0x2: {  	[smem:$0x3F91] =	sst lr;
	_ =	strace $0xD0000000  }
0x3: {  	_ = 	snop  }
0x4: {  	_ = 	snop  }
0x5: {  	_ = 	snop  }
0x6: {  	_ = 	snop  }
0x7: {  	_ = 	snop  }
__scs_overlays_trampoline_lowered:
0x8: {  	[smem:$0x3FA0] =	sst s0  }
0x9: {  	[smem:$0x3FA1] =	sst s1  }
0xa: {  	[smem:$0x3FA2] =	sst s2  }
0xb: {  	[smem:$0x3FA3] =	sst s3  }
0xc: {  	[smem:$0x3FA4] =	sst s4  }
0xd: {  	[smem:$0x3FA5] =	sst s5  }
0xe: {  	[smem:$0x3FA6] =	sst s6  }
0xf: {  	[smem:$0x3FA7] =	sst s7  }
0x10: {  	[smem:$0x3FA8] =	sst s8  }
0x11: {  	[smem:$0x3FA9] =	sst s9;
	s0 =	simm.s32 @!p0 $0x0  }
0x12: {  	s1 =	sld [smem:$0x3F8F];
	s0 =	simm.s32 @p0 $0x1  }
0x13: {  	[smem:$0x3FAA] =	sst s0;
	s0 =	simm.s32 @!p1 $0x0  }
0x14: {  	s2 =	sld [smem:$0x3F8E];
	s0 =	simm.s32 @p1 $0x1  }
0x15: {  	[smem:$0x3FAB] =	sst s0;
	s0 =	simm.s32 @!p2 $0x0  }
0x16: {  	s3 =	sld [smem:$0x3FDB];
	s0 =	simm.s32 @p2 $0x1  }
0x17: {  	s4 =	simm.s32 $0x1BF5;
	[smem:$0x3FAD] =	sst s0  }
0x18: {  	s0 =	sld [smem:$0x3F90];
	_ =	swait.ge [sflag:s4], $0x0  }
0x19: {  	s7 =	sld [smem:$0x3F91]  }
0x1a: {  	s8 =	sadd.s32 $0xFFFFE003, lr  }
0x1b: {  	s9 =	sadd.s32 $0xFFFFFEF7, lr;
	s5 =	simm.s32 $0xFFFFFFFF;
	p2 =	slt.u32 s8, $0xFFFFF086  }
0x1c: {  	p1 =	slt.u32 s9, $0xF7A;
	s5 =	simm.s32 @!p2 $0x0  }
0x1d: {  	s5 =	simm.s32 @p1 $0x1;
	p0 =	seq.s32 s7, s2  }
0x1e: {  	s7 =	smul.u32 @!p0 $0xF7A, s2;
	p2 =	seq.s32 @!p0 s5, $0x0  }
0x1f: {  	s9 =	smul.u32 $0xF7A, s1;
	s8 =	simm.s32 @!p0 $0x1BF5;
	p2 =	por !p2, p0  }
0x20: {  	[sflag:s8] =	ssyncset.s32 @!p0 $0xFFFFF086;
	s6 =	sadd.s32 @!p0 s3, s7;
	s7 =	simm.s32 @!p0 $0x108  }
0x21: {  	s3 =	sadd.s32 s3, s9;
	s6 =	sadd.s32 @!p0 $0x88, s6;
	s7 =	simm.s32 @p2 $0x1082  }
0x22: {  	[simem:s7], [sflag:s8] =	dma.local @!p0 [hbm:s6], $0xF7A  }
0x23: {  	s9 =	sor.u32 $0xD0000000, s2;
	s6 =	simm.s32 $0x108;
	_ =	swait.ge @!p0 [sflag:s8], $0x0  }
0x24: {  	s3 =	sadd.s32 $0x88, s3;
	s6 =	simm.s32 @!p1 $0x1082;
	[sflag:s4] =	ssyncset.s32 $0xFFFFF086  }
0x25: {  	[simem:s6], [sflag:s4] =	dma.local [hbm:s3], $0xF7A  }
0x26: {  	[smem:$0x3F91] =	sst s1;
	(tag) =	ssettag s2;
	_ =	strace s9  }
0x27: {  	s1 =	sld [smem:$0x3FA1]  }
0x28: {  	s2 =	sld [smem:$0x3FA2]  }
0x29: {  	s4 =	sld [smem:$0x3FA4]  }
0x2a: {  	p0 =	seq.s32 s5, $0x0;
	s5 =	sld [smem:$0x3FA5]  }
0x2b: {  	s6 =	sld [smem:$0x3FA6]  }
0x2c: {  	s7 =	sld [smem:$0x3FA7]  }
0x2d: {  	s3 =	simm.s32 $0x108;
	s8 =	sld [smem:$0x3FA8]  }
0x2e: {  	s3 =	simm.s32 @!p0 $0x1082;
	s9 =	sld [smem:$0x3FA9]  }
0x2f: {  	lr =	sadd.s32 s0, s3;
	s0 =	sld [smem:$0x3FA0]  }
0x30: {  	s3 =	sld [smem:$0x3FA3]  }
0x31: {  	[smem:$0x3FAC] =	sst s10  }
0x32: {  	s10 =	sld [smem:$0x3FAA];
	_ =	sdelay $0x3  }
0x33: {  	p0 =	seq.s32 s10, $0x1;
	s10 =	sld [smem:$0x3FAC];
	_ =	sdelay $0x3  }
0x34: {  	[smem:$0x3FAC] =	sst s10  }
0x35: {  	s10 =	sld [smem:$0x3FAB];
	_ =	sdelay $0x3  }
0x36: {  	p1 =	seq.s32 s10, $0x1;
	s10 =	sld [smem:$0x3FAC];
	_ =	sdelay $0x3  }
0x37: {  	[smem:$0x3FAC] =	sst s10  }
0x38: {  	s10 =	sld [smem:$0x3FAD]  }
0x39: {  	_ = 	snop;
	(pc) =	sbr.ind lr, $3  }
0x3a: {  	_ = 	snop  }
0x3b: {  	_ = 	snop  }
0x3c: {  	p2 =	seq.s32 s10, $0x1;
	s10 =	sld [smem:$0x3FAC]  }
0x3d: {  	_ =	shalt  }
0x3e: {  	_ =	shalt  }
0x3f: {  	_ =	shalt  }
0x40: {  	_ =	shalt  }
0x41: {  	_ =	shalt  }
0x42: {  	_ =	shalt  }
0x43: {  	_ =	shalt  }
0x44: {  	_ =	shalt  }
0x45: {  	_ =	shalt  }
0x46: {  	_ =	shalt  }
0x47: {  	_ =	shalt  }
0x48: {  	_ =	shalt  }
0x49: {  	_ =	shalt  }
0x4a: {  	_ =	shalt  }
0x4b: {  	_ =	shalt  }
0x4c: {  	_ =	shalt  }
0x4d: {  	_ =	shalt  }
0x4e: {  	_ =	shalt  }
0x4f: {  	_ =	shalt  }
0x50: {  	_ =	shalt  }
0x51: {  	_ =	shalt  }
0x52: {  	_ =	shalt  }
0x53: {  	_ =	shalt  }
0x54: {  	_ =	shalt  }
0x55: {  	_ =	shalt  }
0x56: {  	_ =	shalt  }
0x57: {  	_ =	shalt  }
0x58: {  	_ =	shalt  }
0x59: {  	_ =	shalt  }
0x5a: {  	_ =	shalt  }
0x5b: {  	_ =	shalt  }
0x5c: {  	_ =	shalt  }
0x5d: {  	_ =	shalt  }
0x5e: {  	_ =	shalt  }
0x5f: {  	_ =	shalt  }
0x60: {  	_ =	shalt  }
0x61: {  	_ =	shalt  }
0x62: {  	_ =	shalt  }
0x63: {  	_ =	shalt  }
0x64: {  	_ =	shalt  }
0x65: {  	_ =	shalt  }
0x66: {  	_ =	shalt  }
0x67: {  	_ =	shalt  }
0x68: {  	_ =	shalt  }
0x69: {  	_ =	shalt  }
0x6a: {  	_ =	shalt  }
0x6b: {  	_ =	shalt  }
0x6c: {  	_ =	shalt  }
0x6d: {  	_ =	shalt  }
0x6e: {  	_ =	shalt  }
0x6f: {  	_ =	shalt  }
0x70: {  	_ =	shalt  }
0x71: {  	_ =	shalt  }
0x72: {  	_ =	shalt  }
0x73: {  	_ =	shalt  }
0x74: {  	_ =	shalt  }
0x75: {  	_ =	shalt  }
0x76: {  	_ =	shalt  }
0x77: {  	_ =	shalt  }
0x78: {  	_ =	shalt  }
0x79: {  	_ =	shalt  }
0x7a: {  	_ =	shalt  }
0x7b: {  	_ =	shalt  }
0x7c: {  	_ =	shalt  }
0x7d: {  	_ =	shalt  }
0x7e: {  	_ =	shalt  }
0x7f: {  	_ =	shalt  }
0x80: {  	_ =	shalt  }
0x81: {  	_ =	shalt  }
0x82: {  	_ =	shalt  }
0x83: {  	_ =	shalt  }
0x84: {  	_ =	shalt  }
0x85: {  	_ =	shalt  }
0x86: {  	_ =	shalt  }
0x87: {  	_ =	shalt  }
.Lfunc_end0:
.L_simem_size_0:
called_computation.4_lowered:
.L_overlay_start_0:
0x88: {  	s2 =	sld [smem:$0x3FD9]  }
0x89: {  	s3 =	sld [smem:$0x3FFE];
	_ =	sdelay $0x1  }
0x8a: {  	s1 =	srdreg.scid  }
0x8b: {  	s0 =	sand.u32 $0x1, s1  }
0x8c: {  	s17 =	sshll.u32 s0, $0xA;
	s2 =	sadd.s32 s3, s2  }
0x8d: {  	s2 =	sadd.s32 s2, s17  }
0x8e: {  	[smem:$0x3FB8] =	sst s2  }
0x8f: {  	_ = 	snop  }
0x90: {  	s2 =	sld [smem:$0x3FC7];
	(tm) =	ssettm $0x1  }
0x91: {  	s18 =	sld [smem:$0x3FFB];
	_ =	sdelay $0x3  }
0x92: {  	_ =	strace s18  }
0x93: {  	s3 =	sld [smem:$0x3FFC];
	_ =	sdelay $0x3  }
0x94: {  	_ =	strace s3  }
0x95: {  	s3 =	sld [smem:$0x3FFD];
	_ =	sdelay $0x3  }
0x96: {  	_ =	strace s3  }
0x97: {  	_ =	strace $0x8FFFFFFF  }
0x98: {  	s19 =	sld [smem:$0x3FDB];
	_ =	sdelay $0x1  }
0x99: {  	s4 =	simm.s32 $_scs_section_size  }
0x9a: {  	s5 =	simm.s32 $_size__tile_overlayer_lowered;
	s6 =	simm.s32 $_tile_overlayer_lowered  }
0x9b: {  	s22 =	simm.s32 $0x1BFF;
	s21 =	sshll.u32 s6, $0x1;
	s3 =	sadd.s32 s4, s19  }
0x9c: {  	s7 =	simm.s32 $0x0;
	s20 =	sshll.u32 s5, $0x1;
	s5 =	sadd.s32 s21, s3  }
0x9d: {  	[timem:s7], [sflag:s22] =	dma.local [hbm:s5], s20  }
0x9e: {  	_ =	swait.ge [sflag:s22], s20  }
0x9f: {  	s4 =	ssub.s32 $0x0, s20;
	[sflag:s22] =	ssyncset.done $0x0  }
0xa0: {  	[sflag:s22] =	ssyncadd.s32 s4;
	_ =	sdelay $0x1  }
0xa1: {  	s23 =	simm.s32 $0x1B8B  }
0xa2: {  	_ =	swait.ge [sflag:s23], $0x1  }
0xa3: {  	[sflag:s23] =	ssyncset.done $0x0  }
0xa4: {  	s25 =	simm.s32 $0x1B8E;
	s24 =	sld [smem:$0x3FFE];
	[sflag:s23] =	ssyncadd.s32 $0xFFFFFFFF  }
0xa5: {  	s26 =	simm.s32 $execute0_lowered;
	[smem:$0x3FD2] =	sst s25  }
0xa6: {  	s5 =	sshll.u32 s26, $0x1;
	_ =	strace $0x80000052;
	[dreg:$0x1] =	wrdreg $0xFFFFFFFF  }
0xa7: {  	s28 =	simm.s32 $_size_execute0_lowered;
	s3 =	sadd.s32 s3, s5;
	[dreg:$0x0] =	wrdreg $0x0  }
0xa8: {  	s5 =	sshll.u32 s28, $0x1;
	[dreg:$0x2] =	wrdreg s3  }
0xa9: {  	[dreg:$0x3] =	wrdreg s5  }
0xaa: {  	[dreg:$0x4] =	wrdreg $0xC0  }
0xab: {  	_ =	task [dreg:s7], $0x5FFFF  }
0xac: {  	[dreg:$0x1] =	wrdreg $0xFFFFFFFF  }
0xad: {  	[dreg:$0x0] =	wrdreg $0x60  }
0xae: {  	[dreg:$0x2] =	wrdreg s2  }
0xaf: {  	[dreg:$0x3] =	wrdreg s24  }
0xb0: {  	[dreg:$0x4] =	wrdreg $0x9  }
0xb1: {  	_ =	task.clear_ibuf [dreg:s7], $0x5FFFF;
	_ =	strace $0x90000052  }
0xb2: {  	s29 =	simm.s32 $0x9;
	_ =	strace $0x80000054  }
0xb3: {  	_ =	swait.ge [sflag:s29], $0x1  }
0xb4: {  	[sflag:s29] =	ssyncadd.s32 $0xFFFFFFFF  }
0xb5: {  	_ =	strace $0x90000054  }
0xb6: {  	_ =	sfence  }
0xb7: {  	s30 =	sld [smem:$0x0];
	_ =	sdelay $0x2  }
0xb8: {  	s31 =	sshll.u32 s1, $0xD;
	s1 =	sshrl.u32 s1, $0x2  }
0xb9: {  	s3 =	sand.u32 $0x4000, s31;
	s1 =	sadd.s32 s1, s30  }
0xba: {  	s0 =	sor.u32 s3, s0;
	s1 =	sshll.u32 s1, $0x11  }
0xbb: {  	s0 =	sor.u32 s1, s0  }
0xbc: {  	s0 =	sadd.s32 $0x8F2B, s0  }
0xbd: {  	[sflag:s0] =	ssyncadd.remote.s32 $0x1  }
0xbe: {  	_ =	sfence.sel $0xFFFF  }
0xbf: {  	[dreg:$0x0] =	wrdreg $0xFFFFFFFF;
	(pc) =	sbr.abs _section_cstart, $3  }
0xc0: {  	[dreg:$0x1] =	wrdreg $0xFFFFFFFF  }
0xc1: {  	_ =	task.clear_ibuf [dreg:s7], $0x2FFFF;
	_ =	strace $0x9FFFFFFF  }
0xc2: {  	(tm) =	ssettm $0x7FFFFFFF  }
0xc3: {  	_ =	shalt  }
tec
execute0_lowered:
.L_overlay_start_1:
0x0: {  	(tag) =	ssettag $0x1  }
0x1: {  	s1 =	srdreg.scid;
	s2 =	rddreg [dreg:$0x0]  }
0x2: {  	s0 =	stileid.u32;
	s5 =	rddreg [dreg:$0x1];
	s6 =	simm.s32 $0x1  }
0x3: {  	s9 =	simm.s32 $0x1;
	s10 =	simm.s32 $0x3;
	s1 =	sshll.u32 s1, $0xC  }
0x4: {  	s13 =	simm.s32 $0x0;
	s3 =	sshll.u32 s0, $0xD;
	s4 =	sand.u32 $0x1000, s1  }
0x5: {  	s12 =	simm.s32 $0x0;
	s1 =	rddreg [dreg:$0x2];
	s3 =	sor.u32 s3, s4  }
0x6: {  	_ =	strace $0x80000053;
	s4 =	sadd.s32 $0x22600, s5;
	s8 =	ssub.s32 $0x40000, s3  }
.Ltmp0:
0x7: {  	s5 =	sadd.s32 $0x2A600, s5;
	s7 =	sand.u32 $0x1F000, s8;
	(pc) =	sbr.rel .LBB2_1-.Ltmp0, $4  }
0x8: {  	[sflag:s6] =	ssyncpa.u1 $0x0;
	s11 =	smov.u32 s3;
	p0 =	sne.s32 s7, $0x0  }
0x9: {  	s8 =	sshrl.u32 s8, $0x11;
	s7 =	simm.s32 $0x2;
	s9 =	simm.s32 @!p0 $0x0  }
0xa: {  	[sflag:s7] =	ssyncpa.u1 $0x0;
	p0 =	por $0x0, $0x0;
	s8 =	sadd.s32 s9, s8  }
0xb: {  	vm0 =	vmmov $0xffff;
	[sflag:s10] =	ssyncpa.u1 $0x0;
	s10 =	simm.s32 $0x0;
	s9 =	sadd.s32 $0x1, s8  }
.LBB2_4:
0xc: {  	v2 =	vnsel vm1, $0x0, v2  }
0xd: {  	vm1 =	vgt.s32 v0, $0x0;
	v2 =	vmin.u32 v2, $0x270FF  }
0xe: {  	v0 =	vnsel vm1, $0x0, v0  }
0xf: {  	v0 =	vmin.u32 v0, $0x270FF  }
0x10: {  	[tilespmem:s15], [sflag:$0x1] =	stream.indirect_vreg.gather [hbm4b:s2+s10], $0x1, v1, vm0, $0x4038;
	[tilespmem:$0x4000] =	vst v63  }
0x11: {  	(ifvalue) =	ssetifvalue $0x7FFFFFFF  }
0x12: {  	[tilespmem:s16], [sflag:$0x1] =	stream.indirect_vreg.gather [hbm4b:s2+s10], $0x1, v2, vm0, $0x4038;
	[tilespmem:$0x4000] =	vst v63  }
0x13: {  	s29 =	sadd.s32 $0x10, s16;
	(ifvalue) =	ssetifvalue $0x7FFFFFFF  }
0x14: {  	[tilespmem:s29], [sflag:$0x1] =	stream.indirect_vreg.gather [hbm4b:s2+s10], $0x1, v0, vm0, $0x4038;
	[tilespmem:$0x4000] =	vst v63  }
0x15: {  	_ =	swait.ge [sflag:s6], $0x1000  }
0x16: {  	s30 =	sshrl.u32 s13, $0x3;
	[sflag:s6] =	ssyncset.done $0x0  }
0x17: {  	s31 =	sand.u32 $0x7, s13;
	s15 =	sadd.s32 s5, s30;
	[sflag:s6] =	ssyncadd.s32 $0xFFFFF000  }
0x18: {  	[hbm4b:s15+s31] =	stream.linear.scatter [tilespmem:s14], [sflag:$0x3], $0x1000, $0x38;
	[tilespmem:$0x4000] =	vst v63  }
.LBB2_5:
0x19: {  	s15 =	sadd.s32 $0x20000, s11  }
0x1a: {  	p2 =	sgt.s32 s15, $0x3FFFF  }
0x1b: {  	s15 =	smov.u32 @p2 s3;
	p2 =	sne.s32 s12, s9  }
.Ltmp1:
0x1c: {  	p1 =	slt.u32 s12, $0x2;
	(pc) =	sbr.rel @!p2 .LBB2_6-.Ltmp1, $4  }
0x1d: {  	s14 =	simm.s32 @!p1 $0x3  }
0x1e: {  	s16 =	sadd.s32 $0x1, s12;
	_ =	swait.ge @!p1 [sflag:s14], $0x1000  }
0x1f: {  	s13 =	smov.u32 s11;
	p0 =	por !p0, !p0;
	[sflag:s14] =	ssyncset.done @!p1 $0x0  }
0x20: {  	s12 =	smov.u32 s16;
	s11 =	smov.u32 s15;
	[sflag:s14] =	ssyncadd.s32 @!p1 $0xFFFFF000  }
.LBB2_1:
0x21: {  	p1 =	sge.u32 s12, s8  }
0x22: {  	s14 =	sxor.u32 @!p1 $0xFFFFFFFF, s12  }
0x23: {  	s31 =	sadd.s32 $0xFFFFFFFF, s12;
	s15 =	sshrl.u32 @!p1 s11, $0x3;
	s14 =	sshll.u32 @!p1 s14, $0xC  }
0x24: {  	s16 =	sand.u32 @!p1 $0x7, s11;
	s15 =	sadd.s32 @!p1 s4, s15;
	s14 =	sand.u32 @!p1 $0x1000, s14  }
0x25: {  	[tilespmem:s14], [sflag:$0x2] =	stream.linear.gather @!p1 [hbm4b:s15+s16], $0x1000, $0x38;
	[tilespmem:$0x4000] =	vst v63  }
0x26: {  	p1 =	sge.u32 s31, s8  }
.Ltmp2:
0x27: {  	_ = 	snop;
	(pc) =	sbr.rel @p1 .LBB2_5-.Ltmp2, $1  }
0x28: {  	_ =	sdelay $0x3  }
0x29: {  	s14 =	simm.s32 $0x1  }
0x2a: {  	_ =	swait.ge [sflag:s7], $0x1000;
	s14 =	simm.s32 @!p0 $0x0  }
0x2b: {  	[sflag:s7] =	ssyncset.done $0x0;
	s14 =	sshll.u32 s14, $0xC  }
0x2c: {  	[sflag:s7] =	ssyncadd.s32 $0xFFFFF000;
	(ifvalue) =	ssetifvalue $0x7FFFFFFF;
	v0 =	vld.msk [tilespmem:s14+$0x0 ss:$0x1], $0xffff;
	_ =	sdelay $0x4  }
0x2d: {  	s15 =	sadd.s32 $0x10, s14;
	vm1 =	vgt.s32 v0, $0x0  }
0x2e: {  	v2 =	vld.msk [tilespmem:s15+$0x0 ss:$0x1], $0xffff;
	v1 =	vnsel vm1, $0x0, v0  }
0x2f: {  	v1 =	vmin.u32 v1, $0x270FF;
	_ =	sdelay $0x1  }
0x30: {  	s16 =	sshll.u32 s12, $0xC;
	s18 =	simm.s32 $0x20  }
0x31: {  	s16 =	sand.u32 $0x1000, s16;
	s17 =	sadd.s32 $0x10, s15;
	s15 =	sor.u32 $0x2000, s14  }
0x32: {  	s14 =	sor.u32 $0x2000, s16;
	s16 =	sadd.s32 $0x10, s15;
	v0 =	vld.msk [tilespmem:s17+$0x0 ss:$0x1], $0xffff;
	vm1 =	vgt.s32 v2, $0x0;
	(ifvalue) =	ssetifvalue $0x7FFFFFFF  }
.LBB2_3:
0x33: {  	[tilespmem:s15], [sflag:$0x1] =	stream.indirect_vreg.gather [hbm4b:s2+s10], $0x1, v1, vm0, $0x4038;
	[tilespmem:$0x4000] =	vst v63  }
0x34: {  	s18 =	sadd.s32 $0x10, s18  }
0x35: {  	v2 =	vnsel vm1, $0x0, v2;
	p1 =	slt.u32 s18, $0xFF0  }
.Ltmp3:
0x36: {  	s15 =	smov.u32 s16;
	v1 =	vmin.u32 v2, $0x270FF;
	(pc) =	sbr.rel @p1 .LBB2_3-.Ltmp3, $3  }
0x37: {  	_ =	sdelay $0x1  }
0x38: {  	s17 =	sadd.s32 $0x10, s17  }
0x39: {  	vm1 =	vgt.s32 v0, $0x0;
	s16 =	sadd.s32 $0x10, s16;
	v2 =	vmov v0;
	(ifvalue) =	ssetifvalue $0x7FFFFFFF;
	v0 =	vld.msk [tilespmem:s17+$0x0 ss:$0x1], $0xffff  }
.Ltmp4:
0x3a: {  	_ = 	snop;
	(pc) =	sbr.rel .LBB2_4-.Ltmp4, $1  }
0x3b: {  	_ =	sdelay $0x3  }
.LBB2_6:
0x3c: {  	_ =	sfence.sel $0x180000  }
0x3d: {  	s2 =	simm.s32 $0x2;
	[bflag:$0x0] =	sbarrier.arrive $0xFFFF  }
0x3e: {  	s30 =	simm.s32 $0x3;
	[sflag:s2] =	ssyncpa.u1 $0x1  }
0x3f: {  	s31 =	simm.s32 $0x1;
	[sflag:s30] =	ssyncpa.u1 $0x1  }
0x40: {  	[sflag:s31] =	ssyncpa.u1 $0x1  }
0x41: {  	p0 =	sne.s32 s0, $0x0;
	_ =	strace $0x90000053  }
0x42: {  	s0 =	sadd.s32 @!p0 $0x100000, s1;
	[bflag:$0x2] =	sbarrier.arrive $0xFFFF  }
0x43: {  	[sflag:s0] =	ssyncadd.tile.s32 @!p0 $0x1;
	_ =	shalt  }
.Lfunc_end2:
_tile_overlayer_lowered:
.L_overlay_start_2:
0x44: {  	(tag) =	ssettag $0x2  }
0x45: {  	s0 =	rddreg [dreg:$0x0];
	s2 =	stileid.u32  }
0x46: {  	s1 =	rddreg [dreg:$0x1];
	p0 =	sne.s32 s2, $0x0  }
0x47: {  	s3 =	rddreg [dreg:$0x2];
	[bflag:$0x3] =	sbarrier.arrive $0xFFFF;
	s2 =	simm.s32 @!p0 $0x1C01  }
0x48: {  	[timem:s3], [sflag:s2] =	dma.local @!p0 [hbm:s0], s1  }
0x49: {  	s0 =	simm.s32 @!p0 $0x1  }
0x4a: {  	_ =	swait.ge @!p0 [sflag:s0], s1  }
0x4b: {  	s1 =	ssub.s32 @!p0 $0x0, s1;
	[sflag:s0] =	ssyncset.done @!p0 $0x0  }
0x4c: {  	[sflag:s0] =	ssyncadd.s32 @!p0 s1  }
0x4d: {  	[bflag:$0x3] =	sbarrier.arrive $0xFFFF  }
0x4e: {  	_ =	shalt  }

// kernel: gather_offload_async_start
scs
__scs_entry_jumppad:
0x0: {  	(pc) =	sbr.rel $0x88, $3  }
0x1: {  	(tag) =	ssettag $0x0;
	lr =	simm.s32 $0x1  }
0x2: {  	[smem:$0x3F91] =	sst lr;
	_ =	strace $0xD0000000  }
0x3: {  	_ = 	snop  }
0x4: {  	_ = 	snop  }
0x5: {  	_ = 	snop  }
0x6: {  	_ = 	snop  }
0x7: {  	_ = 	snop  }
__scs_overlays_trampoline_lowered:
0x8: {  	[smem:$0x3FA0] =	sst s0  }
0x9: {  	[smem:$0x3FA1] =	sst s1  }
0xa: {  	[smem:$0x3FA2] =	sst s2  }
0xb: {  	[smem:$0x3FA3] =	sst s3  }
0xc: {  	[smem:$0x3FA4] =	sst s4  }
0xd: {  	[smem:$0x3FA5] =	sst s5  }
0xe: {  	[smem:$0x3FA6] =	sst s6  }
0xf: {  	[smem:$0x3FA7] =	sst s7  }
0x10: {  	[smem:$0x3FA8] =	sst s8  }
0x11: {  	[smem:$0x3FA9] =	sst s9;
	s0 =	simm.s32 @!p0 $0x0  }
0x12: {  	s1 =	sld [smem:$0x3F8F];
	s0 =	simm.s32 @p0 $0x1  }
0x13: {  	[smem:$0x3FAA] =	sst s0;
	s0 =	simm.s32 @!p1 $0x0  }
0x14: {  	s2 =	sld [smem:$0x3F8E];
	s0 =	simm.s32 @p1 $0x1  }
0x15: {  	[smem:$0x3FAB] =	sst s0;
	s0 =	simm.s32 @!p2 $0x0  }
0x16: {  	s3 =	sld [smem:$0x3FDB];
	s0 =	simm.s32 @p2 $0x1  }
0x17: {  	s4 =	simm.s32 $0x1BF5;
	[smem:$0x3FAD] =	sst s0  }
0x18: {  	s0 =	sld [smem:$0x3F90];
	_ =	swait.ge [sflag:s4], $0x0  }
0x19: {  	s7 =	sld [smem:$0x3F91]  }
0x1a: {  	s8 =	sadd.s32 $0xFFFFE003, lr  }
0x1b: {  	s9 =	sadd.s32 $0xFFFFFEF7, lr;
	s5 =	simm.s32 $0xFFFFFFFF;
	p2 =	slt.u32 s8, $0xFFFFF086  }
0x1c: {  	p1 =	slt.u32 s9, $0xF7A;
	s5 =	simm.s32 @!p2 $0x0  }
0x1d: {  	s5 =	simm.s32 @p1 $0x1;
	p0 =	seq.s32 s7, s2  }
0x1e: {  	s7 =	smul.u32 @!p0 $0xF7A, s2;
	p2 =	seq.s32 @!p0 s5, $0x0  }
0x1f: {  	s9 =	smul.u32 $0xF7A, s1;
	s8 =	simm.s32 @!p0 $0x1BF5;
	p2 =	por !p2, p0  }
0x20: {  	[sflag:s8] =	ssyncset.s32 @!p0 $0xFFFFF086;
	s6 =	sadd.s32 @!p0 s3, s7;
	s7 =	simm.s32 @!p0 $0x108  }
0x21: {  	s3 =	sadd.s32 s3, s9;
	s6 =	sadd.s32 @!p0 $0x88, s6;
	s7 =	simm.s32 @p2 $0x1082  }
0x22: {  	[simem:s7], [sflag:s8] =	dma.local @!p0 [hbm:s6], $0xF7A  }
0x23: {  	s9 =	sor.u32 $0xD0000000, s2;
	s6 =	simm.s32 $0x108;
	_ =	swait.ge @!p0 [sflag:s8], $0x0  }
0x24: {  	s3 =	sadd.s32 $0x88, s3;
	s6 =	simm.s32 @!p1 $0x1082;
	[sflag:s4] =	ssyncset.s32 $0xFFFFF086  }
0x25: {  	[simem:s6], [sflag:s4] =	dma.local [hbm:s3], $0xF7A  }
0x26: {  	[smem:$0x3F91] =	sst s1;
	(tag) =	ssettag s2;
	_ =	strace s9  }
0x27: {  	s1 =	sld [smem:$0x3FA1]  }
0x28: {  	s2 =	sld [smem:$0x3FA2]  }
0x29: {  	s4 =	sld [smem:$0x3FA4]  }
0x2a: {  	p0 =	seq.s32 s5, $0x0;
	s5 =	sld [smem:$0x3FA5]  }
0x2b: {  	s6 =	sld [smem:$0x3FA6]  }
0x2c: {  	s7 =	sld [smem:$0x3FA7]  }
0x2d: {  	s3 =	simm.s32 $0x108;
	s8 =	sld [smem:$0x3FA8]  }
0x2e: {  	s3 =	simm.s32 @!p0 $0x1082;
	s9 =	sld [smem:$0x3FA9]  }
0x2f: {  	lr =	sadd.s32 s0, s3;
	s0 =	sld [smem:$0x3FA0]  }
0x30: {  	s3 =	sld [smem:$0x3FA3]  }
0x31: {  	[smem:$0x3FAC] =	sst s10  }
0x32: {  	s10 =	sld [smem:$0x3FAA];
	_ =	sdelay $0x3  }
0x33: {  	p0 =	seq.s32 s10, $0x1;
	s10 =	sld [smem:$0x3FAC];
	_ =	sdelay $0x3  }
0x34: {  	[smem:$0x3FAC] =	sst s10  }
0x35: {  	s10 =	sld [smem:$0x3FAB];
	_ =	sdelay $0x3  }
0x36: {  	p1 =	seq.s32 s10, $0x1;
	s10 =	sld [smem:$0x3FAC];
	_ =	sdelay $0x3  }
0x37: {  	[smem:$0x3FAC] =	sst s10  }
0x38: {  	s10 =	sld [smem:$0x3FAD]  }
0x39: {  	_ = 	snop;
	(pc) =	sbr.ind lr, $3  }
0x3a: {  	_ = 	snop  }
0x3b: {  	_ = 	snop  }
0x3c: {  	p2 =	seq.s32 s10, $0x1;
	s10 =	sld [smem:$0x3FAC]  }
0x3d: {  	_ =	shalt  }
0x3e: {  	_ =	shalt  }
0x3f: {  	_ =	shalt  }
0x40: {  	_ =	shalt  }
0x41: {  	_ =	shalt  }
0x42: {  	_ =	shalt  }
0x43: {  	_ =	shalt  }
0x44: {  	_ =	shalt  }
0x45: {  	_ =	shalt  }
0x46: {  	_ =	shalt  }
0x47: {  	_ =	shalt  }
0x48: {  	_ =	shalt  }
0x49: {  	_ =	shalt  }
0x4a: {  	_ =	shalt  }
0x4b: {  	_ =	shalt  }
0x4c: {  	_ =	shalt  }
0x4d: {  	_ =	shalt  }
0x4e: {  	_ =	shalt  }
0x4f: {  	_ =	shalt  }
0x50: {  	_ =	shalt  }
0x51: {  	_ =	shalt  }
0x52: {  	_ =	shalt  }
0x53: {  	_ =	shalt  }
0x54: {  	_ =	shalt  }
0x55: {  	_ =	shalt  }
0x56: {  	_ =	shalt  }
0x57: {  	_ =	shalt  }
0x58: {  	_ =	shalt  }
0x59: {  	_ =	shalt  }
0x5a: {  	_ =	shalt  }
0x5b: {  	_ =	shalt  }
0x5c: {  	_ =	shalt  }
0x5d: {  	_ =	shalt  }
0x5e: {  	_ =	shalt  }
0x5f: {  	_ =	shalt  }
0x60: {  	_ =	shalt  }
0x61: {  	_ =	shalt  }
0x62: {  	_ =	shalt  }
0x63: {  	_ =	shalt  }
0x64: {  	_ =	shalt  }
0x65: {  	_ =	shalt  }
0x66: {  	_ =	shalt  }
0x67: {  	_ =	shalt  }
0x68: {  	_ =	shalt  }
0x69: {  	_ =	shalt  }
0x6a: {  	_ =	shalt  }
0x6b: {  	_ =	shalt  }
0x6c: {  	_ =	shalt  }
0x6d: {  	_ =	shalt  }
0x6e: {  	_ =	shalt  }
0x6f: {  	_ =	shalt  }
0x70: {  	_ =	shalt  }
0x71: {  	_ =	shalt  }
0x72: {  	_ =	shalt  }
0x73: {  	_ =	shalt  }
0x74: {  	_ =	shalt  }
0x75: {  	_ =	shalt  }
0x76: {  	_ =	shalt  }
0x77: {  	_ =	shalt  }
0x78: {  	_ =	shalt  }
0x79: {  	_ =	shalt  }
0x7a: {  	_ =	shalt  }
0x7b: {  	_ =	shalt  }
0x7c: {  	_ =	shalt  }
0x7d: {  	_ =	shalt  }
0x7e: {  	_ =	shalt  }
0x7f: {  	_ =	shalt  }
0x80: {  	_ =	shalt  }
0x81: {  	_ =	shalt  }
0x82: {  	_ =	shalt  }
0x83: {  	_ =	shalt  }
0x84: {  	_ =	shalt  }
0x85: {  	_ =	shalt  }
0x86: {  	_ =	shalt  }
0x87: {  	_ =	shalt  }
.Lfunc_end0:
.L_simem_size_0:
called_computation.1_lowered:
.L_overlay_start_0:
0x88: {  	s2 =	sld [smem:$0x3FD9]  }
0x89: {  	s3 =	sld [smem:$0x3FFE];
	_ =	sdelay $0x1  }
0x8a: {  	s1 =	srdreg.scid  }
0x8b: {  	s0 =	sand.u32 $0x1, s1  }
0x8c: {  	s16 =	sshll.u32 s0, $0xA;
	s2 =	sadd.s32 s3, s2  }
0x8d: {  	s2 =	sadd.s32 s2, s16  }
0x8e: {  	[smem:$0x3FB8] =	sst s2  }
0x8f: {  	_ = 	snop  }
0x90: {  	(tm) =	ssettm $0x1  }
0x91: {  	s17 =	sld [smem:$0x3FFB];
	_ =	sdelay $0x3  }
0x92: {  	_ =	strace s17  }
0x93: {  	s2 =	sld [smem:$0x3FFC];
	_ =	sdelay $0x3  }
0x94: {  	_ =	strace s2  }
0x95: {  	s2 =	sld [smem:$0x3FFD];
	_ =	sdelay $0x3  }
0x96: {  	_ =	strace s2  }
0x97: {  	_ =	strace $0x8FFFFFFF  }
0x98: {  	s18 =	sld [smem:$0x3FDB];
	_ =	sdelay $0x1  }
0x99: {  	s19 =	simm.s32 $_scs_section_size  }
0x9a: {  	s4 =	simm.s32 $_size__tile_overlayer_lowered;
	s5 =	simm.s32 $_tile_overlayer_lowered  }
0x9b: {  	s22 =	simm.s32 $0x1BFF;
	s21 =	sshll.u32 s5, $0x1;
	s2 =	sadd.s32 s19, s18  }
0x9c: {  	s6 =	simm.s32 $0x0;
	s20 =	sshll.u32 s4, $0x1;
	s4 =	sadd.s32 s21, s2  }
0x9d: {  	[timem:s6], [sflag:s22] =	dma.local [hbm:s4], s20  }
0x9e: {  	_ =	swait.ge [sflag:s22], s20  }
0x9f: {  	s3 =	ssub.s32 $0x0, s20;
	[sflag:s22] =	ssyncset.done $0x0  }
0xa0: {  	[sflag:s22] =	ssyncadd.s32 s3;
	_ =	sdelay $0x1  }
0xa1: {  	s23 =	simm.s32 $0x1B8B  }
0xa2: {  	_ =	swait.ge [sflag:s23], $0x1  }
0xa3: {  	[sflag:s23] =	ssyncset.done $0x0  }
0xa4: {  	s25 =	simm.s32 $0x1B8E;
	s24 =	sld [smem:$0x3FFE];
	[sflag:s23] =	ssyncadd.s32 $0xFFFFFFFF  }
0xa5: {  	s26 =	simm.s32 $execute0_lowered;
	[smem:$0x3FD2] =	sst s25  }
0xa6: {  	s4 =	sshll.u32 s26, $0x1;
	_ =	strace $0x80000049;
	[dreg:$0x1] =	wrdreg $0xFFFFFFFF  }
0xa7: {  	s28 =	simm.s32 $_size_execute0_lowered;
	s2 =	sadd.s32 s2, s4;
	[dreg:$0x0] =	wrdreg $0x0  }
0xa8: {  	s4 =	sshll.u32 s28, $0x1;
	[dreg:$0x2] =	wrdreg s2  }
0xa9: {  	[dreg:$0x3] =	wrdreg s4  }
0xaa: {  	[dreg:$0x4] =	wrdreg $0xC0  }
0xab: {  	_ =	task [dreg:s6], $0x5FFFF  }
0xac: {  	[dreg:$0x1] =	wrdreg $0xFFFFFFFF  }
0xad: {  	[dreg:$0x0] =	wrdreg $0x60  }
0xae: {  	[dreg:$0x2] =	wrdreg s24  }
0xaf: {  	[dreg:$0x3] =	wrdreg $0x9  }
0xb0: {  	_ =	task.clear_ibuf [dreg:s6], $0x4FFFF;
	_ =	strace $0x90000049  }
0xb1: {  	s29 =	simm.s32 $0x9;
	_ =	strace $0x8000004B  }
0xb2: {  	_ =	swait.ge [sflag:s29], $0x1  }
0xb3: {  	[sflag:s29] =	ssyncadd.s32 $0xFFFFFFFF  }
0xb4: {  	_ =	strace $0x9000004B  }
0xb5: {  	_ =	sfence  }
0xb6: {  	s30 =	sld [smem:$0x0];
	_ =	sdelay $0x2  }
0xb7: {  	s31 =	sshll.u32 s1, $0xD;
	s1 =	sshrl.u32 s1, $0x2  }
0xb8: {  	s3 =	sand.u32 $0x4000, s31;
	s1 =	sadd.s32 s1, s30  }
0xb9: {  	s0 =	sor.u32 s3, s0;
	s1 =	sshll.u32 s1, $0x11  }
0xba: {  	s0 =	sor.u32 s1, s0  }
0xbb: {  	s0 =	sadd.s32 $0x8F2B, s0  }
0xbc: {  	[sflag:s0] =	ssyncadd.remote.s32 $0x1  }
0xbd: {  	_ =	sfence.sel $0xFFFF  }
0xbe: {  	[dreg:$0x0] =	wrdreg $0xFFFFFFFF;
	(pc) =	sbr.abs _section_cstart, $3  }
0xbf: {  	[dreg:$0x1] =	wrdreg $0xFFFFFFFF  }
0xc0: {  	_ =	task.clear_ibuf [dreg:s6], $0x2FFFF;
	_ =	strace $0x9FFFFFFF  }
0xc1: {  	(tm) =	ssettm $0x7FFFFFFF  }
tec
execute0_lowered:
.L_overlay_start_1:
0x0: {  	(tag) =	ssettag $0x1  }
0x1: {  	s0 =	srdreg.scid;
	s5 =	rddreg [dreg:$0x0]  }
0x2: {  	s1 =	stileid.u32;
	s6 =	simm.s32 $0x1;
	s9 =	simm.s32 $0x1  }
0x3: {  	s10 =	simm.s32 $0x3;
	s13 =	simm.s32 $0x0;
	s2 =	sshll.u32 s0, $0xC  }
0x4: {  	s12 =	simm.s32 $0x0;
	s3 =	sshll.u32 s1, $0xD;
	s2 =	sand.u32 $0x1000, s2  }
0x5: {  	s0 =	rddreg [dreg:$0x1];
	_ =	strace $0x8000004A;
	s2 =	sor.u32 s3, s2  }
0x6: {  	s4 =	sadd.s32 $0x2C400, s5;
	[sflag:s6] =	ssyncpa.u1 $0x0;
	s8 =	ssub.s32 $0x40000, s2  }
.Ltmp0:
0x7: {  	s3 =	sadd.s32 $0x22600, s5;
	s7 =	sand.u32 $0x1F000, s8;
	(pc) =	sbr.rel .LBB2_1-.Ltmp0, $4  }
0x8: {  	s5 =	sadd.s32 $0x3C400, s5;
	s11 =	smov.u32 s2;
	p0 =	sne.s32 s7, $0x0  }
0x9: {  	s8 =	sshrl.u32 s8, $0x11;
	s7 =	simm.s32 $0x2;
	s9 =	simm.s32 @!p0 $0x0  }
0xa: {  	[sflag:s7] =	ssyncpa.u1 $0x0;
	p0 =	por $0x0, $0x0;
	s8 =	sadd.s32 s9, s8  }
0xb: {  	vm0 =	vmmov $0xffff;
	[sflag:s10] =	ssyncpa.u1 $0x0;
	s10 =	simm.s32 $0x0;
	s9 =	sadd.s32 $0x1, s8  }
.LBB2_4:
0xc: {  	v2 =	vnsel vm1, $0x0, v2  }
0xd: {  	vm1 =	vgt.s32 v0, $0x0;
	v2 =	vmin.u32 v2, $0x4E1FF  }
0xe: {  	v0 =	vnsel vm1, $0x0, v0  }
0xf: {  	v0 =	vmin.u32 v0, $0x4E1FF  }
0x10: {  	[tilespmem:s15], [sflag:$0x1] =	stream.indirect_vreg.gather [hbm4b:s3+s10], $0x1, v1, vm0, $0x4038;
	[tilespmem:$0x4000] =	vst v63  }
0x11: {  	(ifvalue) =	ssetifvalue $0x7FFFFFFF  }
0x12: {  	[tilespmem:s16], [sflag:$0x1] =	stream.indirect_vreg.gather [hbm4b:s3+s10], $0x1, v2, vm0, $0x4038;
	[tilespmem:$0x4000] =	vst v63  }
0x13: {  	s29 =	sadd.s32 $0x10, s16;
	(ifvalue) =	ssetifvalue $0x7FFFFFFF  }
0x14: {  	[tilespmem:s29], [sflag:$0x1] =	stream.indirect_vreg.gather [hbm4b:s3+s10], $0x1, v0, vm0, $0x4038;
	[tilespmem:$0x4000] =	vst v63  }
0x15: {  	_ =	swait.ge [sflag:s6], $0x1000  }
0x16: {  	s30 =	sshrl.u32 s13, $0x3;
	[sflag:s6] =	ssyncset.done $0x0  }
0x17: {  	s31 =	sand.u32 $0x7, s13;
	s15 =	sadd.s32 s5, s30;
	[sflag:s6] =	ssyncadd.s32 $0xFFFFF000  }
0x18: {  	[hbm4b:s15+s31] =	stream.linear.scatter [tilespmem:s14], [sflag:$0x3], $0x1000, $0x38;
	[tilespmem:$0x4000] =	vst v63  }
.LBB2_5:
0x19: {  	s15 =	sadd.s32 $0x20000, s11  }
0x1a: {  	p2 =	sgt.s32 s15, $0x3FFFF  }
0x1b: {  	s15 =	smov.u32 @p2 s2;
	p2 =	sne.s32 s12, s9  }
.Ltmp1:
0x1c: {  	p1 =	slt.u32 s12, $0x2;
	(pc) =	sbr.rel @!p2 .LBB2_6-.Ltmp1, $4  }
0x1d: {  	s14 =	simm.s32 @!p1 $0x3  }
0x1e: {  	s16 =	sadd.s32 $0x1, s12;
	_ =	swait.ge @!p1 [sflag:s14], $0x1000  }
0x1f: {  	s13 =	smov.u32 s11;
	p0 =	por !p0, !p0;
	[sflag:s14] =	ssyncset.done @!p1 $0x0  }
0x20: {  	s12 =	smov.u32 s16;
	s11 =	smov.u32 s15;
	[sflag:s14] =	ssyncadd.s32 @!p1 $0xFFFFF000  }
.LBB2_1:
0x21: {  	p1 =	sge.u32 s12, s8  }
0x22: {  	s14 =	sxor.u32 @!p1 $0xFFFFFFFF, s12  }
0x23: {  	s31 =	sadd.s32 $0xFFFFFFFF, s12;
	s15 =	sshrl.u32 @!p1 s11, $0x3;
	s14 =	sshll.u32 @!p1 s14, $0xC  }
0x24: {  	s16 =	sand.u32 @!p1 $0x7, s11;
	s15 =	sadd.s32 @!p1 s4, s15;
	s14 =	sand.u32 @!p1 $0x1000, s14  }
0x25: {  	[tilespmem:s14], [sflag:$0x2] =	stream.linear.gather @!p1 [hbm4b:s15+s16], $0x1000, $0x38;
	[tilespmem:$0x4000] =	vst v63  }
0x26: {  	p1 =	sge.u32 s31, s8  }
.Ltmp2:
0x27: {  	_ = 	snop;
	(pc) =	sbr.rel @p1 .LBB2_5-.Ltmp2, $1  }
0x28: {  	_ =	sdelay $0x3  }
0x29: {  	s14 =	simm.s32 $0x1  }
0x2a: {  	_ =	swait.ge [sflag:s7], $0x1000;
	s14 =	simm.s32 @!p0 $0x0  }
0x2b: {  	[sflag:s7] =	ssyncset.done $0x0;
	s14 =	sshll.u32 s14, $0xC  }
0x2c: {  	[sflag:s7] =	ssyncadd.s32 $0xFFFFF000;
	(ifvalue) =	ssetifvalue $0x7FFFFFFF;
	v0 =	vld.msk [tilespmem:s14+$0x0 ss:$0x1], $0xffff;
	_ =	sdelay $0x4  }
0x2d: {  	s15 =	sadd.s32 $0x10, s14;
	vm1 =	vgt.s32 v0, $0x0  }
0x2e: {  	v2 =	vld.msk [tilespmem:s15+$0x0 ss:$0x1], $0xffff;
	v1 =	vnsel vm1, $0x0, v0  }
0x2f: {  	v1 =	vmin.u32 v1, $0x4E1FF;
	_ =	sdelay $0x1  }
0x30: {  	s16 =	sshll.u32 s12, $0xC;
	s18 =	simm.s32 $0x20  }
0x31: {  	s16 =	sand.u32 $0x1000, s16;
	s17 =	sadd.s32 $0x10, s15;
	s15 =	sor.u32 $0x2000, s14  }
0x32: {  	s14 =	sor.u32 $0x2000, s16;
	s16 =	sadd.s32 $0x10, s15;
	v0 =	vld.msk [tilespmem:s17+$0x0 ss:$0x1], $0xffff;
	vm1 =	vgt.s32 v2, $0x0;
	(ifvalue) =	ssetifvalue $0x7FFFFFFF  }
.LBB2_3:
0x33: {  	[tilespmem:s15], [sflag:$0x1] =	stream.indirect_vreg.gather [hbm4b:s3+s10], $0x1, v1, vm0, $0x4038;
	[tilespmem:$0x4000] =	vst v63  }
0x34: {  	s18 =	sadd.s32 $0x10, s18  }
0x35: {  	v2 =	vnsel vm1, $0x0, v2;
	p1 =	slt.u32 s18, $0xFF0  }
.Ltmp3:
0x36: {  	s15 =	smov.u32 s16;
	v1 =	vmin.u32 v2, $0x4E1FF;
	(pc) =	sbr.rel @p1 .LBB2_3-.Ltmp3, $3  }
0x37: {  	_ =	sdelay $0x1  }
0x38: {  	s17 =	sadd.s32 $0x10, s17  }
0x39: {  	vm1 =	vgt.s32 v0, $0x0;
	s16 =	sadd.s32 $0x10, s16;
	v2 =	vmov v0;
	(ifvalue) =	ssetifvalue $0x7FFFFFFF;
	v0 =	vld.msk [tilespmem:s17+$0x0 ss:$0x1], $0xffff  }
.Ltmp4:
0x3a: {  	_ = 	snop;
	(pc) =	sbr.rel .LBB2_4-.Ltmp4, $1  }
0x3b: {  	_ =	sdelay $0x3  }
.LBB2_6:
0x3c: {  	_ =	sfence.sel $0x180000  }
0x3d: {  	s2 =	simm.s32 $0x2;
	[bflag:$0x0] =	sbarrier.arrive $0xFFFF  }
0x3e: {  	s30 =	simm.s32 $0x3;
	[sflag:s2] =	ssyncpa.u1 $0x1  }
0x3f: {  	s31 =	simm.s32 $0x1;
	[sflag:s30] =	ssyncpa.u1 $0x1  }
0x40: {  	[sflag:s31] =	ssyncpa.u1 $0x1  }
0x41: {  	p0 =	sne.s32 s1, $0x0;
	_ =	strace $0x9000004A  }
0x42: {  	s0 =	sadd.s32 @!p0 $0x100000, s0;
	[bflag:$0x2] =	sbarrier.arrive $0xFFFF  }
0x43: {  	[sflag:s0] =	ssyncadd.tile.s32 @!p0 $0x1;
	_ =	shalt  }
.Lfunc_end2:
_tile_overlayer_lowered:
.L_overlay_start_2:
0x44: {  	(tag) =	ssettag $0x2  }
0x45: {  	s0 =	rddreg [dreg:$0x0];
	s2 =	stileid.u32  }
0x46: {  	s1 =	rddreg [dreg:$0x1];
	p0 =	sne.s32 s2, $0x0  }
0x47: {  	s3 =	rddreg [dreg:$0x2];
	[bflag:$0x3] =	sbarrier.arrive $0xFFFF;
	s2 =	simm.s32 @!p0 $0x1C01  }
0x48: {  	[timem:s3], [sflag:s2] =	dma.local @!p0 [hbm:s0], s1  }
0x49: {  	s0 =	simm.s32 @!p0 $0x1  }
0x4a: {  	_ =	swait.ge @!p0 [sflag:s0], s1  }
0x4b: {  	s1 =	ssub.s32 @!p0 $0x0, s1;
	[sflag:s0] =	ssyncset.done @!p0 $0x0  }
0x4c: {  	[sflag:s0] =	ssyncadd.s32 @!p0 s1  }
0x4d: {  	[bflag:$0x3] =	sbarrier.arrive $0xFFFF  }
0x4e: {  	_ =	shalt  }

// kernel: scatter_offload_async_start
scs
__scs_entry_jumppad:
0x0: {  	(pc) =	sbr.rel $0x88, $3  }
0x1: {  	(tag) =	ssettag $0x0;
	lr =	simm.s32 $0x1  }
0x2: {  	[smem:$0x3F91] =	sst lr;
	_ =	strace $0xD0000000  }
0x3: {  	_ = 	snop  }
0x4: {  	_ = 	snop  }
0x5: {  	_ = 	snop  }
0x6: {  	_ = 	snop  }
0x7: {  	_ = 	snop  }
__scs_overlays_trampoline_lowered:
0x8: {  	[smem:$0x3FA0] =	sst s0  }
0x9: {  	[smem:$0x3FA1] =	sst s1  }
0xa: {  	[smem:$0x3FA2] =	sst s2  }
0xb: {  	[smem:$0x3FA3] =	sst s3  }
0xc: {  	[smem:$0x3FA4] =	sst s4  }
0xd: {  	[smem:$0x3FA5] =	sst s5  }
0xe: {  	[smem:$0x3FA6] =	sst s6  }
0xf: {  	[smem:$0x3FA7] =	sst s7  }
0x10: {  	[smem:$0x3FA8] =	sst s8  }
0x11: {  	[smem:$0x3FA9] =	sst s9;
	s0 =	simm.s32 @!p0 $0x0  }
0x12: {  	s1 =	sld [smem:$0x3F8F];
	s0 =	simm.s32 @p0 $0x1  }
0x13: {  	[smem:$0x3FAA] =	sst s0;
	s0 =	simm.s32 @!p1 $0x0  }
0x14: {  	s2 =	sld [smem:$0x3F8E];
	s0 =	simm.s32 @p1 $0x1  }
0x15: {  	[smem:$0x3FAB] =	sst s0;
	s0 =	simm.s32 @!p2 $0x0  }
0x16: {  	s3 =	sld [smem:$0x3FDB];
	s0 =	simm.s32 @p2 $0x1  }
0x17: {  	s4 =	simm.s32 $0x1BF5;
	[smem:$0x3FAD] =	sst s0  }
0x18: {  	s0 =	sld [smem:$0x3F90];
	_ =	swait.ge [sflag:s4], $0x0  }
0x19: {  	s7 =	sld [smem:$0x3F91]  }
0x1a: {  	s8 =	sadd.s32 $0xFFFFE003, lr  }
0x1b: {  	s9 =	sadd.s32 $0xFFFFFEF7, lr;
	s5 =	simm.s32 $0xFFFFFFFF;
	p2 =	slt.u32 s8, $0xFFFFF086  }
0x1c: {  	p1 =	slt.u32 s9, $0xF7A;
	s5 =	simm.s32 @!p2 $0x0  }
0x1d: {  	s5 =	simm.s32 @p1 $0x1;
	p0 =	seq.s32 s7, s2  }
0x1e: {  	s7 =	smul.u32 @!p0 $0xF7A, s2;
	p2 =	seq.s32 @!p0 s5, $0x0  }
0x1f: {  	s9 =	smul.u32 $0xF7A, s1;
	s8 =	simm.s32 @!p0 $0x1BF5;
	p2 =	por !p2, p0  }
0x20: {  	[sflag:s8] =	ssyncset.s32 @!p0 $0xFFFFF086;
	s6 =	sadd.s32 @!p0 s3, s7;
	s7 =	simm.s32 @!p0 $0x108  }
0x21: {  	s3 =	sadd.s32 s3, s9;
	s6 =	sadd.s32 @!p0 $0x88, s6;
	s7 =	simm.s32 @p2 $0x1082  }
0x22: {  	[simem:s7], [sflag:s8] =	dma.local @!p0 [hbm:s6], $0xF7A  }
0x23: {  	s9 =	sor.u32 $0xD0000000, s2;
	s6 =	simm.s32 $0x108;
	_ =	swait.ge @!p0 [sflag:s8], $0x0  }
0x24: {  	s3 =	sadd.s32 $0x88, s3;
	s6 =	simm.s32 @!p1 $0x1082;
	[sflag:s4] =	ssyncset.s32 $0xFFFFF086  }
0x25: {  	[simem:s6], [sflag:s4] =	dma.local [hbm:s3], $0xF7A  }
0x26: {  	[smem:$0x3F91] =	sst s1;
	(tag) =	ssettag s2;
	_ =	strace s9  }
0x27: {  	s1 =	sld [smem:$0x3FA1]  }
0x28: {  	s2 =	sld [smem:$0x3FA2]  }
0x29: {  	s4 =	sld [smem:$0x3FA4]  }
0x2a: {  	p0 =	seq.s32 s5, $0x0;
	s5 =	sld [smem:$0x3FA5]  }
0x2b: {  	s6 =	sld [smem:$0x3FA6]  }
0x2c: {  	s7 =	sld [smem:$0x3FA7]  }
0x2d: {  	s3 =	simm.s32 $0x108;
	s8 =	sld [smem:$0x3FA8]  }
0x2e: {  	s3 =	simm.s32 @!p0 $0x1082;
	s9 =	sld [smem:$0x3FA9]  }
0x2f: {  	lr =	sadd.s32 s0, s3;
	s0 =	sld [smem:$0x3FA0]  }
0x30: {  	s3 =	sld [smem:$0x3FA3]  }
0x31: {  	[smem:$0x3FAC] =	sst s10  }
0x32: {  	s10 =	sld [smem:$0x3FAA];
	_ =	sdelay $0x3  }
0x33: {  	p0 =	seq.s32 s10, $0x1;
	s10 =	sld [smem:$0x3FAC];
	_ =	sdelay $0x3  }
0x34: {  	[smem:$0x3FAC] =	sst s10  }
0x35: {  	s10 =	sld [smem:$0x3FAB];
	_ =	sdelay $0x3  }
0x36: {  	p1 =	seq.s32 s10, $0x1;
	s10 =	sld [smem:$0x3FAC];
	_ =	sdelay $0x3  }
0x37: {  	[smem:$0x3FAC] =	sst s10  }
0x38: {  	s10 =	sld [smem:$0x3FAD]  }
0x39: {  	_ = 	snop;
	(pc) =	sbr.ind lr, $3  }
0x3a: {  	_ = 	snop  }
0x3b: {  	_ = 	snop  }
0x3c: {  	p2 =	seq.s32 s10, $0x1;
	s10 =	sld [smem:$0x3FAC]  }
0x3d: {  	_ =	shalt  }
0x3e: {  	_ =	shalt  }
0x3f: {  	_ =	shalt  }
0x40: {  	_ =	shalt  }
0x41: {  	_ =	shalt  }
0x42: {  	_ =	shalt  }
0x43: {  	_ =	shalt  }
0x44: {  	_ =	shalt  }
0x45: {  	_ =	shalt  }
0x46: {  	_ =	shalt  }
0x47: {  	_ =	shalt  }
0x48: {  	_ =	shalt  }
0x49: {  	_ =	shalt  }
0x4a: {  	_ =	shalt  }
0x4b: {  	_ =	shalt  }
0x4c: {  	_ =	shalt  }
0x4d: {  	_ =	shalt  }
0x4e: {  	_ =	shalt  }
0x4f: {  	_ =	shalt  }
0x50: {  	_ =	shalt  }
0x51: {  	_ =	shalt  }
0x52: {  	_ =	shalt  }
0x53: {  	_ =	shalt  }
0x54: {  	_ =	shalt  }
0x55: {  	_ =	shalt  }
0x56: {  	_ =	shalt  }
0x57: {  	_ =	shalt  }
0x58: {  	_ =	shalt  }
0x59: {  	_ =	shalt  }
0x5a: {  	_ =	shalt  }
0x5b: {  	_ =	shalt  }
0x5c: {  	_ =	shalt  }
0x5d: {  	_ =	shalt  }
0x5e: {  	_ =	shalt  }
0x5f: {  	_ =	shalt  }
0x60: {  	_ =	shalt  }
0x61: {  	_ =	shalt  }
0x62: {  	_ =	shalt  }
0x63: {  	_ =	shalt  }
0x64: {  	_ =	shalt  }
0x65: {  	_ =	shalt  }
0x66: {  	_ =	shalt  }
0x67: {  	_ =	shalt  }
0x68: {  	_ =	shalt  }
0x69: {  	_ =	shalt  }
0x6a: {  	_ =	shalt  }
0x6b: {  	_ =	shalt  }
0x6c: {  	_ =	shalt  }
0x6d: {  	_ =	shalt  }
0x6e: {  	_ =	shalt  }
0x6f: {  	_ =	shalt  }
0x70: {  	_ =	shalt  }
0x71: {  	_ =	shalt  }
0x72: {  	_ =	shalt  }
0x73: {  	_ =	shalt  }
0x74: {  	_ =	shalt  }
0x75: {  	_ =	shalt  }
0x76: {  	_ =	shalt  }
0x77: {  	_ =	shalt  }
0x78: {  	_ =	shalt  }
0x79: {  	_ =	shalt  }
0x7a: {  	_ =	shalt  }
0x7b: {  	_ =	shalt  }
0x7c: {  	_ =	shalt  }
0x7d: {  	_ =	shalt  }
0x7e: {  	_ =	shalt  }
0x7f: {  	_ =	shalt  }
0x80: {  	_ =	shalt  }
0x81: {  	_ =	shalt  }
0x82: {  	_ =	shalt  }
0x83: {  	_ =	shalt  }
0x84: {  	_ =	shalt  }
0x85: {  	_ =	shalt  }
0x86: {  	_ =	shalt  }
0x87: {  	_ =	shalt  }
.Lfunc_end0:
.L_simem_size_0:
called_computation_lowered:
.L_overlay_start_0:
0x88: {  	s0 =	sld [smem:$0x3FD9]  }
0x89: {  	s1 =	sld [smem:$0x3FFE];
	_ =	sdelay $0x3  }
0x8a: {  	s0 =	sadd.s32 s1, s0  }
0x8b: {  	[smem:$0x3FB8] =	sst s0  }
0x8c: {  	_ = 	snop  }
0x8d: {  	(tm) =	ssettm $0x1  }
0x8e: {  	s15 =	sld [smem:$0x3FFB];
	_ =	sdelay $0x3  }
0x8f: {  	_ =	strace s15  }
0x90: {  	s0 =	sld [smem:$0x3FFC];
	_ =	sdelay $0x3  }
0x91: {  	_ =	strace s0  }
0x92: {  	s0 =	sld [smem:$0x3FFD];
	_ =	sdelay $0x3  }
0x93: {  	_ =	strace s0  }
0x94: {  	_ =	strace $0x8FFFFFFF  }
0x95: {  	s16 =	sld [smem:$0x3FDB];
	_ =	sdelay $0x1  }
0x96: {  	s17 =	simm.s32 $_scs_section_size  }
0x97: {  	s2 =	simm.s32 $_size__tile_overlayer_lowered;
	s3 =	simm.s32 $_tile_overlayer_lowered  }
0x98: {  	s20 =	simm.s32 $0x1BFF;
	s19 =	sshll.u32 s3, $0x1;
	s0 =	sadd.s32 s17, s16  }
0x99: {  	s4 =	simm.s32 $0x0;
	s18 =	sshll.u32 s2, $0x1;
	s2 =	sadd.s32 s19, s0  }
0x9a: {  	[timem:s4], [sflag:s20] =	dma.local [hbm:s2], s18  }
0x9b: {  	_ =	swait.ge [sflag:s20], s18  }
0x9c: {  	s1 =	ssub.s32 $0x0, s18;
	[sflag:s20] =	ssyncset.done $0x0  }
0x9d: {  	[sflag:s20] =	ssyncadd.s32 s1;
	_ =	sdelay $0x1  }
0x9e: {  	s21 =	simm.s32 $0x1B8B  }
0x9f: {  	_ =	swait.ge [sflag:s21], $0x1  }
0xa0: {  	[sflag:s21] =	ssyncset.done $0x0  }
0xa1: {  	s23 =	simm.s32 $0x1B8E;
	s22 =	sld [smem:$0x3FFE];
	[sflag:s21] =	ssyncadd.s32 $0xFFFFFFFF  }
0xa2: {  	s24 =	simm.s32 $execute0_lowered;
	[smem:$0x3FD2] =	sst s23  }
0xa3: {  	s2 =	sshll.u32 s24, $0x1;
	_ =	strace $0x80000046;
	[dreg:$0x1] =	wrdreg $0xFFFFFFFF  }
0xa4: {  	s25 =	simm.s32 $_size_execute0_lowered;
	s0 =	sadd.s32 s0, s2;
	[dreg:$0x0] =	wrdreg $0x0  }
0xa5: {  	s2 =	sshll.u32 s25, $0x1;
	[dreg:$0x2] =	wrdreg s0  }
0xa6: {  	[dreg:$0x3] =	wrdreg s2  }
0xa7: {  	[dreg:$0x4] =	wrdreg $0xC0  }
0xa8: {  	_ =	task [dreg:s4], $0x5FFFF  }
0xa9: {  	[dreg:$0x1] =	wrdreg $0xFFFFFFFF  }
0xaa: {  	[dreg:$0x0] =	wrdreg $0x60  }
0xab: {  	[dreg:$0x2] =	wrdreg s22  }
0xac: {  	[dreg:$0x3] =	wrdreg $0x9  }
0xad: {  	_ =	task.clear_ibuf [dreg:s4], $0x4FFFF;
	_ =	strace $0x90000046  }
0xae: {  	s26 =	simm.s32 $0x9;
	_ =	strace $0x80000048  }
0xaf: {  	_ =	swait.ge [sflag:s26], $0x1  }
0xb0: {  	[sflag:s26] =	ssyncadd.s32 $0xFFFFFFFF  }
0xb1: {  	_ =	strace $0x90000048  }
0xb2: {  	_ =	sfence  }
0xb3: {  	s28 =	sld [smem:$0x0];
	_ =	sdelay $0x1  }
0xb4: {  	s29 =	srdreg.scid  }
0xb5: {  	s30 =	sshll.u32 s29, $0xD;
	s31 =	sshrl.u32 s29, $0x2  }
0xb6: {  	s1 =	sand.u32 $0x1, s29;
	s2 =	sand.u32 $0x4000, s30;
	s0 =	sadd.s32 s31, s28  }
0xb7: {  	s1 =	sor.u32 s2, s1;
	s0 =	sshll.u32 s0, $0x11  }
0xb8: {  	s0 =	sor.u32 s0, s1  }
0xb9: {  	s0 =	sadd.s32 $0x8F2B, s0  }
0xba: {  	[sflag:s0] =	ssyncadd.remote.s32 $0x1  }
0xbb: {  	_ =	sfence.sel $0xFFFF  }
0xbc: {  	[dreg:$0x0] =	wrdreg $0xFFFFFFFF;
	(pc) =	sbr.abs _section_cstart, $3  }
0xbd: {  	[dreg:$0x1] =	wrdreg $0xFFFFFFFF  }
0xbe: {  	_ =	task.clear_ibuf [dreg:s4], $0x2FFFF;
	_ =	strace $0x9FFFFFFF  }
0xbf: {  	(tm) =	ssettm $0x7FFFFFFF  }
tec
execute0_lowered:
.L_overlay_start_1:
0x0: {  	(tag) =	ssettag $0x1  }
0x1: {  	s5 =	rddreg [dreg:$0x0];
	_ =	strace $0x80000047;
	s1 =	simm.s32 $0x1  }
0x2: {  	v1 =	vimm.s32 $0xFFFFFFFF;
	[sflag:s1] =	ssyncpa.u1 $0x0  }
0x3: {  	[tilespmem:$0x10] =	vst v1  }
0x4: {  	v0 =	vimm.s32 $0x7FFFFFFF;
	[tilespmem:$0x20] =	vst v1  }
0x5: {  	s2 =	stileid.u32;
	s6 =	simm.s32 $0x10;
	[tilespmem:$0x30] =	vst v0  }
0x6: {  	s7 =	simm.s32 $0x2;
	s31 =	simm.s32 $0x7;
	s9 =	simm.s32 $0x9;
	[tilespmem:$0x40] =	vst v0  }
0x7: {  	s16 =	simm.s32 $0x100;
	s17 =	simm.s32 $0xFFFFFFFE;
	s18 =	simm.s32 $0x0;
	[tilespmem:$0x50] =	vst v0  }
0x8: {  	s19 =	simm.s32 $0xFFFFFFFF;
	s20 =	simm.s32 $0xF;
	s21 =	simm.s32 $0x30;
	[tilespmem:$0x60] =	vst v1  }
0x9: {  	s22 =	simm.s32 $0x0;
	s25 =	simm.s32 $0x0;
	s23 =	simm.s32 $0x0;
	[tilespmem:$0x70] =	vst v1  }
0xa: {  	s30 =	smin.u32 s2, $0x8;
	p0 =	slt.u32 s2, $0x8;
	s1 =	sadd.s32 $0x21800, s5;
	[tilespmem:$0x80] =	vst v1  }
0xb: {  	s4 =	sadd.s32 $0xFE00, s5;
	v1 =	vimm.s32 $0x0;
	s3 =	sshll.u32 s30, $0x4;
	s6 =	simm.s32 @!p0 $0x0;
	[tilespmem:$0xB0] =	vst v0  }
0xc: {  	s5 =	sadd.s32 $0x10000, s5;
	s12 =	sshllo.u32 s2, $0x1;
	[tilespmem:$0x90] =	vst v1;
	s6 =	sadd.s32 s6, s3  }
0xd: {  	[tilespmem:$0xA0] =	vst v1;
	[sflag:s7] =	ssyncpa.u1 $0x0;
	s7 =	simm.s32 $0x8;
	s6 =	smin.u32 s6, $0x80  }
.Ltmp0:
0xe: {  	[sflag:s31] =	ssyncpa.u1 $0x0;
	s8 =	ssub.s32 s6, s3;
	(pc) =	sbr.rel .LBB2_1-.Ltmp0, $4  }
0xf: {  	s24 =	smov.u32 s3;
	[sflag:s7] =	ssyncpa.u1 $0x0;
	p0 =	sgt.s32 s8, $0x0  }
0x10: {  	[sflag:s9] =	ssyncpa.u1 $0x0;
	s9 =	sshll.u32 s2, $0x1;
	s8 =	simm.s32 @!p0 $0x0  }
0x11: {  	s11 =	sor.u32 $0x81, s9;
	s13 =	sor.u32 $0x80, s9;
	s8 =	sshrl.u32 s8, $0x4  }
0x12: {  	vm0 =	vmxor vm0, vm0;
	vm1 =	vmmov $0x1;
	vm2 =	vmmov $0xffff;
	s10 =	sadd.s32 $0x2, s8;
	s14 =	sadd.s32 $0x3, s8;
	s15 =	sadd.s32 $0x1, s8  }
.LBB2_3:
0x13: {  	p0 =	slt.u32 s23, $0x3  }
0x14: {  	s0 =	simm.s32 @!p0 $0x2  }
0x15: {  	_ =	swait.ge @!p0 [sflag:s0], $0x10  }
0x16: {  	[sflag:s0] =	ssyncset.done @!p0 $0x0  }
0x17: {  	[sflag:s0] =	ssyncadd.s32 @!p0 $0xFFFFFFF0;
	s0 =	simm.s32 @!p0 $0x9  }
0x18: {  	_ =	swait.ge @!p0 [sflag:s0], $0x10  }
0x19: {  	s25 =	sadd.s32 $0x10, s24;
	s23 =	sadd.s32 $0x1, s23;
	[sflag:s0] =	ssyncset.done @!p0 $0x0  }
0x1a: {  	[sflag:s0] =	ssyncadd.s32 @!p0 $0xFFFFFFF0;
	p0 =	slt.s32 s25, s6;
	s0 =	smov.u32 s3  }
0x1b: {  	s0 =	smov.u32 @p0 s25;
	p0 =	sne.s32 s14, s23  }
.Ltmp1:
0x1c: {  	_ = 	snop;
	(pc) =	sbr.rel @!p0 .LBB2_4-.Ltmp1, $3  }
0x1d: {  	_ =	sdelay $0x1  }
0x1e: {  	s16 =	sadd.s32 $0x10, s16;
	s17 =	sadd.s32 $0x1, s17;
	s22 =	sadd.s32 $0x10, s22  }
0x1f: {  	s19 =	sadd.s32 $0x1, s19;
	s25 =	smov.u32 s24;
	s24 =	smov.u32 s0  }
.LBB2_1:
0x20: {  	s26 =	smulhi.u32 $0xAAAAAAAB, s23;
	_ =	sdelay $0x1  }
0x21: {  	s26 =	sshrl.u32 s26, $0x1  }
0x22: {  	s26 =	smul.u32 $0xFFFFFF40, s26  }
0x23: {  	p0 =	sge.u32 s23, s8  }
0x24: {  	s30 =	smulhi.u32 $0xAAAAAAAB, s19;
	s28 =	sshrl.u32 @!p0 s24, $0x3;
	s26 =	sshra.s32 @!p0 s26, $0x2  }
0x25: {  	s29 =	sand.u32 @!p0 $0x7, s24;
	s28 =	sadd.s32 @!p0 s4, s28;
	s26 =	sadd.s32 @!p0 s26, s16  }
0x26: {  	[tilespmem:s26], [sflag:$0x7] =	stream.linear.gather @!p0 [hbm4b:s28+s29], $0x10, $0x38;
	[tilespmem:$0x1B0] =	vst v63  }
0x27: {  	s31 =	sadd.s32 $0xFFFFFFFF, s23;
	s26 =	sshrl.u32 s30, $0x1  }
0x28: {  	p0 =	sge.u32 s31, s8;
	s26 =	smul.u32 $0xFFFFFF40, s26  }
0x29: {  	s28 =	simm.s32 @!p0 $0x7  }
0x2a: {  	_ =	swait.ge @!p0 [sflag:s28], $0x10;
	s26 =	sshra.s32 @!p0 s26, $0x2  }
0x2b: {  	[sflag:s28] =	ssyncset.done @!p0 $0x0;
	s26 =	sadd.s32 @!p0 s26, s16  }
0x2c: {  	[sflag:s28] =	ssyncadd.s32 @!p0 $0xFFFFFFF0;
	(ifvalue) =	ssetifvalue @!p0 $0xFFFFFFFF;
	v2 =	vld.msk @!p0 [tilespmem:s26+$0xFFFFFFF0 ss:$0x1], $0xffff;
	_ =	sdelay $0x1  }
0x2d: {  	p1 =	sne.s32 @!p0 s23, $0x1  }
0x2e: {  	p1 =	por p1, p0  }
0x2f: {  	v3 =	vimm.s32 @!p1 $0x0  }
0x30: {  	v3 =	vperm.xlane @!p1 v2, v3  }
0x31: {  	vm3 =	vlt.u32 @!p0 v2, $0x2800  }
0x32: {  	s28 =	sand.u32 @!p0 $0x10, s22;
	v2 =	vnsel @!p0 vm3, $0xFFFFFFFE, v2;
	vm3 =	vlt.u32 @!p1 v3, $0x2800  }
0x33: {  	[tilespmem:s28+$0x60] =	vst @!p0 v2;
	v2 =	vnsel @!p1 vm3, $0xFFFFFFFE, v3  }
0x34: {  	s28 =	sadd.s32 @!p0 $0xFFFFFFF0, s26;
	[tilespmem:$0x80] =	vst @!p1 v2  }
0x35: {  	v2 =	vld.msk @!p0 [tilespmem:s28+$0x0 ss:$0x1], $0xffff;
	_ =	sdelay $0x4  }
0x36: {  	(xrf1) =	vunique.msk.u32 @!p0 $0xffff, v2;
	_ =	sdelay $0xd  }
0x37: {  	v4 =	vlaneseq.u32 @!p0;
	v3, _, _ =	vpop @!p0 (xrf1)  }
0x38: {  	vm3 =	vlt.u32 @!p0 v2, $0x2800;
	vm4 =	veq.s32 @!p0 v3, v4  }
0x39: {  	vm4 =	vmand @!p0 vm3, vm4  }
0x3a: {  	v2 =	vnsel @!p0 vm4, $0xFFFFFFFF, v2;
	_ =	sdelay $0x1  }
0x3b: {  	s28 =	sadd.s32 @!p0 $0xFFFFFFF0, s22  }
0x3c: {  	s30 =	simm.s32 @!p0 $0x0;
	s28 =	sand.u32 @!p0 $0x10, s28  }
0x3d: {  	s25 =	sshrl.u32 @!p0 s25, $0x3;
	s29 =	sadd.s32 @!p0 $0x130, s28;
	(ifvalue) =	ssetifvalue @!p0 $0xFFFFFFFF;
	vm4 =	vmmov @!p0 $0xffff  }
0x3e: {  	[tilespmem:s29], [sflag:$0x8] =	stream.indirect_vreg.gather @!p0 [hbm4b:s1+s30], $0x1, v2, vm4, $0x4038;
	v2 =	vnsel @!p0 vm3, $0xFFFFFFFE, v2;
	[tilespmem:$0x1B0] =	vst v63  }
0x3f: {  	s25 =	sadd.s32 @!p0 s5, s25;
	[tilespmem:s26+$0xFFFFFFF0] =	vst @!p0 v2;
	s26 =	sadd.s32 @!p0 $0x150, s28  }
0x40: {  	[tilespmem:s26], [sflag:$0x8] =	stream.linear.gather @!p0 [hbm:s25], $0x10, $0x38;
	[tilespmem:$0x1B0] =	vst v63  }
0x41: {  	p0 =	slt.u32 s23, $0x2  }
0x42: {  	p1 =	sge.u32 @!p0 s23, s10  }
0x43: {  	p0 =	por p0, p1  }
.Ltmp2:
0x44: {  	_ = 	snop;
	(pc) =	sbr.rel @p0 .LBB2_3-.Ltmp2, $1  }
0x45: {  	_ =	sdelay $0x3  }
0x46: {  	s25 =	smulhi.u32 $0xAAAAAAAB, s17;
	_ =	sdelay $0x1  }
0x47: {  	s25 =	sshrl.u32 s25, $0x1  }
0x48: {  	s25 =	smul.u32 $0xC0, s25;
	_ =	sdelay $0x1  }
0x49: {  	p0 =	sne.s32 s15, s23;
	s29 =	ssub.s32 $0xFFFFFF80, s25  }
0x4a: {  	_ =	swait.ge [sflag:s7], $0x20;
	s25 =	sshra.s32 @!p0 s29, $0x2  }
0x4b: {  	[sflag:s7] =	ssyncset.done $0x0;
	s25 =	sadd.s32 @!p0 s25, s16  }
0x4c: {  	s26 =	simm.s32 @!p0 $0x1;
	[sflag:s7] =	ssyncadd.s32 $0xFFFFFFE0;
	s25 =	sadd.s32 @!p0 $0xF, s25  }
0x4d: {  	[spmem:s11] =	stream.linear.scatter @!p0 [tilespmem:s25], [sflag:$0x1], $0x1, $0x38;
	[tilespmem:$0x1B0] =	vst v63  }
0x4e: {  	_ =	swait.ge @!p0 [sflag:s26], $0x1  }
0x4f: {  	[sflag:s26] =	ssyncset.done @!p0 $0x0  }
0x50: {  	s25 =	sand.u32 $0x10, s22;
	[sflag:s26] =	ssyncadd.s32 @!p0 $0xFFFFFFFF  }
0x51: {  	s30 =	sxor.u32 $0x10, s25;
	v2 =	vld [tilespmem:s25+$0x10]  }
0x52: {  	v3 =	vld [tilespmem:s30+$0x60]  }
0x53: {  	v4 =	vld [tilespmem:$0x80];
	_ =	sdelay $0x2  }
0x54: {  	(v2sf) =	vpush v2, $0x0  }
0x55: {  	(v2sf) =	vpush v3, $0x0  }
0x56: {  	(v2sf) =	vpush v4, $0x0;
	_ =	sdelay $0xc  }
0x57: {  	s31 =	spop (v2sf)  }
0x58: {  	s0 =	spop (v2sf)  }
0x59: {  	s28 =	spop (v2sf)  }
0x5a: {  	p1 =	seq.s32 s31, s0;
	p2 =	seq.s32 s28, s31  }
0x5b: {  	p2 =	por p1, p2  }
0x5c: {  	v2 =	vpsel p2, $0xFFFFFFFF, v2  }
0x5d: {  	v3 =	vld [tilespmem:s25+$0x150];
	[tilespmem:s25+$0x10] =	vst.msk $0x1, v2  }
0x5e: {  	v2 =	vld [tilespmem:$0x30]  }
0x5f: {  	v5 =	vld [tilespmem:s25+$0x40];
	_ =	sdelay $0x3  }
0x60: {  	vm3 =	vmmov vm0;
	vm5 =	vmmov vm1;
	vm4 =	vlt.s32 v2, v3  }
0x61: {  	vm3 =	vmmov @p1 vm1;
	vm11 =	vlt.s32 v2, v5;
	v3 =	vsel vm4, v2, v3  }
0x62: {  	vm5 =	vmmov @p2 vm0;
	v2 =	vsel vm11, v2, v5;
	[tilespmem:s25+$0x150] =	vst.msk vm3, v3  }
0x63: {  	[tilespmem:s25+$0x190] =	vst.msk vm5, v2  }
0x64: {  	v2 =	vld [tilespmem:s25+$0x130];
	_ =	sdelay $0x4  }
0x65: {  	v2 =	vshift.insert v2, v1, s20  }
0x66: {  	s31 =	sor.u32 $0x40, s30  }
0x67: {  	s29 =	sshra.s32 s29, $0x2;
	[tilespmem:s31+$0x0] =	vst.msk $0x1, v2  }
0x68: {  	s0 =	sadd.s32 s29, s16;
	[tilespmem:s25+$0x13F] =	vst.msk $0x1, v0  }
0x69: {  	v2 =	vld [tilespmem:s0+$0x0];
	_ =	sdelay $0x4  }
0x6a: {  	v2 =	vshift.insert v2, v1, s20;
	_ =	sdelay $0x1  }
0x6b: {  	[tilespmem:s30+$0x10] =	vst.msk $0x1, v2  }
0x6c: {  	v3 =	vld [tilespmem:s0+$0x0]  }
0x6d: {  	v60 =	vld [tilespmem:s25+$0x150];
	_ =	sdelay $0x4  }
0x6e: {  	vm3 =	vne.s32 v3, $0xFFFFFFFF;
	v5 =	vxor.u32 $0x80000000, v60  }
0x6f: {  	(xrf0) =	vmin.seg.scan.u32 vm3, v5;
	_ =	sdelay $0x1  }
0x70: {  	v61 =	vperm.xlane v2, v1  }
0x71: {  	v6 =	vld [tilespmem:s25+$0x130]  }
0x72: {  	vm12 =	veq.s32 v3, v61;
	vm3 =	veq.s32 v3, v4  }
0x73: {  	vm13 =	vgt.u32 v3, $0xFFFFFFFD;
	vm4 =	vmor vm12, vm3  }
0x74: {  	vm4 =	vmor vm4, vm13;
	v62, _, _ =	vpop (xrf0)  }
0x75: {  	v3 =	vsel vm4, $0xFFFFFFFF, v3;
	v4 =	vxor.u32 $0x80000000, v62  }
0x76: {  	vm14 =	vlt.s32 v4, v6  }
0x77: {  	v6 =	vsel vm14, v4, v6  }
0x78: {  	v63 =	vld [tilespmem:$0xA0];
	v6 =	vsel vm3, v4, v6  }
0x79: {  	s30 =	sadd.s32 $0x170, s25;
	v7 =	vld [tilespmem:$0x90];
	[tilespmem:s25+$0x170] =	vst v6;
	(ifvalue) =	ssetifvalue $0xFFFFFFFF  }
0x7a: {  	[hbm4b:s1+s18] =	stream.indirect_vreg.scatter [tilespmem:s30], [sflag:$0x2], $0x1, v3, vm2, $0x4038;
	[tilespmem:$0x1B0] =	vst v63  }
0x7b: {  	v3 =	vld [tilespmem:s25+$0x170];
	_ =	sdelay $0x4  }
0x7c: {  	v3 =	vshift.insert v3, v1, s20  }
0x7d: {  	vm15 =	veq.s32 v63, $0x1  }
0x7e: {  	vm4 =	vmor vm15, vm3;
	v4 =	vsel vm3, v4, v7;
	[tilespmem:s21+$0x0] =	vst.msk $0x1, v3  }
0x7f: {  	v3 =	vsel vm4, $0x1, v1;
	[tilespmem:$0x90] =	vst v4  }
0x80: {  	s0 =	sadd.s32 @!p0 $0x17F, s25;
	[tilespmem:$0xA0] =	vst v3  }
0x81: {  	[spmem:s12] =	stream.linear.scatter @!p0 [tilespmem:s0], [sflag:$0x1], $0x1, $0x38;
	[tilespmem:$0x1B0] =	vst v63  }
0x82: {  	v3 =	vmctz.xlane @!p0 vm4;
	_ =	swait.ge @!p0 [sflag:s26], $0x1  }
0x83: {  	(v2sf) =	vpush @!p0 v2, $0x0  }
0x84: {  	(v2sf) =	vpush @!p0 v3, $0x0;
	_ =	sdelay $0xd  }
0x85: {  	s0 =	spop @!p0 (v2sf)  }
0x86: {  	s29 =	spop @!p0 (v2sf)  }
0x87: {  	p1 =	sne.s32 @!p0 s28, s0;
	p2 =	slt.s32 @!p0 s29, $0xF  }
0x88: {  	[sflag:s26] =	ssyncset.done @!p0 $0x0;
	p1 =	por p1, p0;
	p2 =	por !p2, p0  }
0x89: {  	[sflag:s26] =	ssyncadd.s32 @!p0 $0xFFFFFFFF;
	v2 =	vimm.s32 @!p1 $0xFFFFFFFF;
	s29 =	simm.s32 @p2 $0xF  }
0x8a: {  	[tilespmem:$0x80] =	vst @!p1 v2;
	s0 =	sadd.s32 @!p0 $0x90, s29  }
0x8b: {  	[spmem:s9] =	stream.linear.scatter @!p0 [tilespmem:s0], [sflag:$0x1], $0x1, $0x38;
	[tilespmem:$0x1B0] =	vst v63  }
0x8c: {  	_ =	swait.ge @!p0 [sflag:s26], $0x1  }
0x8d: {  	[sflag:s26] =	ssyncset.done @!p0 $0x0  }
0x8e: {  	s0 =	simm.s32 @!p0 $0x80;
	[sflag:s26] =	ssyncadd.s32 @!p0 $0xFFFFFFFF  }
0x8f: {  	[spmem:s13] =	stream.linear.scatter @!p0 [tilespmem:s0], [sflag:$0x1], $0x1, $0x38;
	[tilespmem:$0x1B0] =	vst v63  }
0x90: {  	_ =	swait.ge @!p0 [sflag:s26], $0x1  }
0x91: {  	[sflag:s26] =	ssyncset.done @!p0 $0x0  }
0x92: {  	[sflag:s26] =	ssyncadd.s32 @!p0 $0xFFFFFFFF;
	(ifvalue) =	ssetifvalue $0xFFFFFFFF;
	v2 =	vld [tilespmem:s25+$0x10];
	_ =	sdelay $0x3  }
.Ltmp3:
0x93: {  	_ = 	snop;
	(pc) =	sbr.rel .LBB2_3-.Ltmp3, $3  }
0x94: {  	_ =	sdelay $0x1  }
0x95: {  	s31 =	sadd.s32 $0x190, s25;
	(ifvalue) =	ssetifvalue $0xFFFFFFFF  }
0x96: {  	[hbm4b:s1+s18] =	stream.indirect_vreg.scatter [tilespmem:s31], [sflag:$0x9], $0x1, v2, vm2, $0x4038;
	[tilespmem:$0x1B0] =	vst v63  }
.LBB2_4:
0x97: {  	_ =	sfence.sel $0x180000  }
0x98: {  	s0 =	simm.s32 $0x7;
	[bflag:$0x0] =	sbarrier.arrive $0xFFFF  }
0x99: {  	s26 =	simm.s32 $0x8;
	[sflag:s0] =	ssyncpa.u1 $0x1  }
0x9a: {  	s28 =	simm.s32 $0x9;
	[sflag:s26] =	ssyncpa.u1 $0x1  }
0x9b: {  	[sflag:s28] =	ssyncpa.u1 $0x1  }
0x9c: {  	_ =	sfence.stream.spmem  }
0x9d: {  	s29 =	simm.s32 $0x3;
	[bflag:$0x0] =	sbarrier.arrive $0xFFFF  }
0x9e: {  	s30 =	simm.s32 $0x4;
	[sflag:s29] =	ssyncpa.u1 $0x1  }
0x9f: {  	s31 =	simm.s32 $0x3C;
	[sflag:s30] =	ssyncpa.u1 $0x1  }
0xa0: {  	p0 =	sne.s32 s2, $0x0;
	[sflag:s31] =	ssyncpa.u1 $0x1  }
0xa1: {  	s0 =	simm.s32 @p0 $0x1;
	_ =	sfence @p0  }
0xa2: {  	[sflag:s0] =	ssyncpa.u1 @p0 $0x1;
	s0 =	simm.s32 @p0 $0x2  }
0xa3: {  	[sflag:s0] =	ssyncpa.u1 @p0 $0x1  }
0xa4: {  	_ =	strace @p0 $0x90000047  }
0xa5: {  	[bflag:$0x2] =	sbarrier.arrive @p0 $0xFFFF  }
0xa6: {  	_ =	shalt @p0  }
.LBB2_5:
0xa7: {  	_ =	sfence.stream.spmem;
	s0 =	simm.s32 $0x5  }
0xa8: {  	s2 =	simm.s32 $0x80;
	s3 =	simm.s32 $0xC0;
	[sflag:s0] =	ssyncpa.u1 $0x0  }
0xa9: {  	[tilespmem:s3], [sflag:$0x5] =	stream.linear.gather [spmem:s2], $0x10, $0x38;
	[tilespmem:$0x1B0] =	vst v63  }
0xaa: {  	s30 =	simm.s32 $0xE0;
	s2 =	simm.s32 $0x0  }
0xab: {  	[tilespmem:s30], [sflag:$0x5] =	stream.linear.gather [spmem:s2], $0x10, $0x38;
	[tilespmem:$0x1B0] =	vst v63  }
.Ltmp4:
0xac: {  	_ = 	snop;
	(pc) =	sbr.rel .LBB2_6-.Ltmp4, $4  }
0xad: {  	_ =	swait.ge [sflag:s0], $0x20  }
0xae: {  	[sflag:s0] =	ssyncset.done $0x0  }
0xaf: {  	s31 =	simm.s32 $0x6;
	[sflag:s0] =	ssyncadd.s32 $0xFFFFFFE0  }
0xb0: {  	s3 =	simm.s32 $0x0;
	[sflag:s31] =	ssyncpa.u1 $0x0  }
.LBB2_11:
0xb1: {  	p0 =	sgt.u32 s4, $0x27FF  }
0xb2: {  	s0 =	sshrl.u32 @!p0 s4, $0x3  }
0xb3: {  	s4 =	sand.u32 @!p0 $0x7, s4;
	s5 =	simm.s32 @!p0 $0xB0;
	s0 =	sadd.s32 @!p0 s1, s0  }
0xb4: {  	[tilespmem:s5], [sflag:$0x6] =	stream.linear.gather @!p0 [hbm4b:s0+s4], $0x1, $0x38;
	[tilespmem:$0x1B0] =	vst v63  }
0xb5: {  	s0 =	simm.s32 @!p0 $0x6  }
0xb6: {  	_ =	swait.ge @!p0 [sflag:s0], $0x1  }
0xb7: {  	[sflag:s0] =	ssyncset.done @!p0 $0x0  }
0xb8: {  	[sflag:s0] =	ssyncadd.s32 @!p0 $0xFFFFFFFF  }
0xb9: {  	v1 =	vld.msk @!p0 [tilespmem:$0xB0], $0x1  }
0xba: {  	v2 =	vld.msk @!p0 [tilespmem:s3+$0xE0], $0x1;
	_ =	sdelay $0x4  }
0xbb: {  	vm0 =	vlt.s32 @!p0 v2, v1  }
0xbc: {  	v1 =	vsel @!p0 vm0, v2, v1  }
0xbd: {  	[tilespmem:s3+$0xE0] =	vst.msk @!p0 $0x1, v1  }
0xbe: {  	[tilespmem:s2+$0xC0] =	vst.msk $0x1, v0  }
0xbf: {  	v0 =	vld.msk [tilespmem:s3+$0xE0], $0x1;
	_ =	sdelay $0x4  }
0xc0: {  	[tilespmem:s2+$0xE0] =	vst.msk $0x1, v0;
	s2 =	sadd.s32 $0x1, s2  }
.LBB2_13:
0xc1: {  	s3 =	sadd.s32 $0x1, s3  }
0xc2: {  	p0 =	sne.s32 s3, $0x10  }
.Ltmp5:
0xc3: {  	_ = 	snop;
	(pc) =	sbr.rel @!p0 .LBB2_14-.Ltmp5, $1  }
0xc4: {  	_ =	sdelay $0x3  }
.LBB2_6:
0xc5: {  	v0 =	vld.msk [tilespmem:s3+$0xC0], $0x1;
	_ =	sdelay $0x4  }
0xc6: {  	(v2sf) =	vpush v0, $0x0;
	_ =	sdelay $0xe  }
0xc7: {  	s4 =	spop (v2sf)  }
0xc8: {  	p0 =	seq.s32 s4, $0xFFFFFFFF  }
.Ltmp6:
0xc9: {  	_ = 	snop;
	(pc) =	sbr.rel @p0 .LBB2_13-.Ltmp6, $1  }
0xca: {  	_ =	sdelay $0x3  }
0xcb: {  	p0 =	slt.s32 s2, $0x1  }
.Ltmp7:
0xcc: {  	_ = 	snop;
	(pc) =	sbr.rel @p0 .LBB2_11-.Ltmp7, $1  }
0xcd: {  	_ =	sdelay $0x3  }
0xce: {  	s5 =	simm.s32 $0xC0;
	p0 =	por $0x0, $0x0  }
0xcf: {  	v1 =	vld.msk @!p0 [tilespmem:s5+$0x0], $0x1;
	_ =	sdelay $0x4  }
0xd0: {  	(v2sf) =	vpush @!p0 v1, $0x0;
	_ =	sdelay $0xd  }
0xd1: {  	p2 =	sne.s32 s2, $0x1  }
.Ltmp8:
0xd2: {  	s0 =	spop @!p0 (v2sf);
	(pc) =	sbr.rel @!p2 .LBB2_10-.Ltmp8, $4  }
0xd3: {  	p1 =	seq.s32 @!p0 s4, s0  }
0xd4: {  	s6 =	simm.s32 $0x0;
	p1 =	por !p1, p0  }
0xd5: {  	s0 =	simm.s32 $0xFFFFFFFF;
	s6 =	simm.s32 @p1 $0xFFFFFFFF  }
0xd6: {  	s7 =	simm.s32 $0x1;
	s6 =	smov.u32 @p0 s0  }
.LBB2_9:
0xd7: {  	s0 =	smov.u32 s6;
	p0 =	sne.s32 s6, $0xFFFFFFFF  }
0xd8: {  	s5 =	sadd.s32 $0x1, s5;
	s6 =	smov.u32 s7;
	s7 =	sadd.s32 $0x1, s7  }
0xd9: {  	p1 =	sne.s32 s2, s7;
	v1 =	vld.msk @!p0 [tilespmem:s5+$0x0], $0x1;
	_ =	sdelay $0x4  }
0xda: {  	(v2sf) =	vpush @!p0 v1, $0x0;
	_ =	sdelay $0xe  }
.Ltmp9:
0xdb: {  	s8 =	spop @!p0 (v2sf);
	(pc) =	sbr.rel @p1 .LBB2_9-.Ltmp9, $4  }
0xdc: {  	p2 =	seq.s32 @!p0 s4, s8  }
0xdd: {  	p2 =	por !p2, p0  }
0xde: {  	s6 =	simm.s32 @p2 $0xFFFFFFFF  }
0xdf: {  	s6 =	smov.u32 @p0 s0  }
.LBB2_10:
0xe0: {  	p0 =	sne.s32 s6, $0xFFFFFFFF  }
.Ltmp10:
0xe1: {  	_ = 	snop;
	(pc) =	sbr.rel @!p0 .LBB2_11-.Ltmp10, $1  }
0xe2: {  	_ =	sdelay $0x3  }
0xe3: {  	v0 =	vld.msk [tilespmem:s3+$0xE0], $0x1  }
0xe4: {  	v1 =	vld.msk [tilespmem:s6+$0xE0], $0x1;
	_ =	sdelay $0x2  }
.Ltmp11:
0xe5: {  	_ = 	snop;
	(pc) =	sbr.rel .LBB2_13-.Ltmp11, $4  }
0xe6: {  	_ = 	snop  }
0xe7: {  	vm0 =	vlt.s32 v1, v0  }
0xe8: {  	v0 =	vsel vm0, v1, v0  }
0xe9: {  	[tilespmem:s6+$0xE0] =	vst.msk $0x1, v0  }
.LBB2_14:
0xea: {  	p0 =	slt.s32 s2, $0x1  }
.Ltmp12:
0xeb: {  	_ = 	snop;
	(pc) =	sbr.rel @p0 .LBB2_18-.Ltmp12, $3  }
0xec: {  	_ =	sdelay $0x1  }
0xed: {  	s0 =	simm.s32 $0x6  }
0xee: {  	s3 =	simm.s32 $0x0;
	[sflag:s0] =	ssyncpa.u1 $0x1  }
0xef: {  	s0 =	simm.s32 $0xC0  }
0xf0: {  	v0 =	vld.msk [tilespmem:s0+$0x0], $0x1;
	_ =	sdelay $0x4  }
0xf1: {  	(v2sf) =	vpush v0, $0x0;
	_ =	sdelay $0xd  }
0xf2: {  	s2 =	sadd.s32 $0xFFFFFFFF, s2  }
0xf3: {  	p1 =	sne.s32 s2, $0x0;
	s0 =	spop (v2sf)  }
.Ltmp13:
0xf4: {  	p0 =	sgt.u32 s0, $0x27FF;
	(pc) =	sbr.rel @!p1 .LBB2_17-.Ltmp13, $4  }
0xf5: {  	s4 =	simm.s32 $0xE0;
	s5 =	sshrl.u32 @!p0 s0, $0x3  }
0xf6: {  	s6 =	simm.s32 $0x0;
	s0 =	sand.u32 @!p0 $0x7, s0;
	s5 =	sadd.s32 @!p0 s1, s5  }
0xf7: {  	[hbm4b:s5+s0] =	stream.linear.scatter @!p0 [tilespmem:s4], [sflag:$0x5], $0x1, $0x38;
	[tilespmem:$0x1B0] =	vst v63  }
0xf8: {  	s6 =	simm.s32 @!p0 $0x4;
	s5 =	simm.s32 $0xC1  }
.LBB2_16:
0xf9: {  	v0 =	vld.msk [tilespmem:s5+$0x0], $0x1;
	s2 =	sadd.s32 $0xFFFFFFFF, s2;
	s3 =	sadd.s32 s3, s6  }
0xfa: {  	p0 =	sne.s32 s2, $0x0;
	_ =	sdelay $0x3  }
0xfb: {  	(v2sf) =	vpush v0, $0x0;
	_ =	sdelay $0xe  }
.Ltmp14:
0xfc: {  	s0 =	spop (v2sf);
	(pc) =	sbr.rel @p0 .LBB2_16-.Ltmp14, $4  }
0xfd: {  	s6 =	simm.s32 $0x0;
	p1 =	sgt.u32 s0, $0x27FF  }
0xfe: {  	s4 =	sadd.s32 $0x1, s4;
	s6 =	simm.s32 @!p1 $0x4;
	s7 =	sshrl.u32 @!p1 s0, $0x3  }
0xff: {  	s5 =	sadd.s32 $0x1, s5;
	s0 =	sand.u32 @!p1 $0x7, s0;
	s7 =	sadd.s32 @!p1 s1, s7  }
0x100: {  	[hbm4b:s7+s0] =	stream.linear.scatter @!p1 [tilespmem:s4], [sflag:$0x5], $0x1, $0x38;
	[tilespmem:$0x1B0] =	vst v63  }
.LBB2_17:
0x101: {  	s0 =	sadd.s32 s3, s6  }
0x102: {  	s3 =	sshrl.u32 s0, $0x2  }
.LBB2_18:
0x103: {  	s0 =	simm.s32 $0x5  }
0x104: {  	_ =	swait.ge [sflag:s0], s3  }
0x105: {  	s1 =	ssub.s32 $0x0, s3;
	[sflag:s0] =	ssyncset.done $0x0  }
0x106: {  	[sflag:s0] =	ssyncadd.s32 s1  }
0x107: {  	[sflag:s0] =	ssyncpa.u1 $0x1  }
0x108: {  	s29 =	simm.s32 $0x1;
	_ =	sfence  }
0x109: {  	s30 =	simm.s32 $0x2;
	[sflag:s29] =	ssyncpa.u1 $0x1  }
0x10a: {  	[sflag:s30] =	ssyncpa.u1 $0x1  }
0x10b: {  	_ =	strace $0x90000047  }
0x10c: {  	[bflag:$0x2] =	sbarrier.arrive $0xFFFF  }
0x10d: {  	s31 =	rddreg [dreg:$0x1]  }
0x10e: {  	s0 =	sadd.s32 $0x100000, s31  }
0x10f: {  	[sflag:s0] =	ssyncadd.tile.s32 $0x1;
	_ =	shalt  }
.Lfunc_end2:
_tile_overlayer_lowered:
.L_overlay_start_2:
0x110: {  	(tag) =	ssettag $0x2  }
0x111: {  	s0 =	rddreg [dreg:$0x0];
	s2 =	stileid.u32  }
0x112: {  	s1 =	rddreg [dreg:$0x1];
	p0 =	sne.s32 s2, $0x0  }
0x113: {  	s3 =	rddreg [dreg:$0x2];
	[bflag:$0x3] =	sbarrier.arrive $0xFFFF;
	s2 =	simm.s32 @!p0 $0x1C01  }
0x114: {  	[timem:s3], [sflag:s2] =	dma.local @!p0 [hbm:s0], s1  }
0x115: {  	s0 =	simm.s32 @!p0 $0x1  }
0x116: {  	_ =	swait.ge @!p0 [sflag:s0], s1  }
0x117: {  	s1 =	ssub.s32 @!p0 $0x0, s1;
	[sflag:s0] =	ssyncset.done @!p0 $0x0  }
0x118: {  	[sflag:s0] =	ssyncadd.s32 @!p0 s1  }
0x119: {  	[bflag:$0x3] =	sbarrier.arrive $0xFFFF  }
0x11a: {  	_ =	shalt  }

</sc_bundles>
